<compile_context>
chip_gen: v7x
topology: tpu7x:2x2x1
jax: 0.10.2.dev20260603
libtpu: 0.0.44.dev20260713+nightly
codegen_flags: <defaults>
</compile_context>

<pallas_src>
import functools

import jax
import jax.numpy as jnp
from jax import lax
from jax.experimental import pallas as pl
from jax.experimental.pallas import tpu as pltpu
from jax.experimental.pallas import tpu_sc as plsc

N = 1600000
NUM_CORES = 2
NUM_SUBCORES = 16
NUM_WORKERS = NUM_CORES * NUM_SUBCORES
CHUNK = N // NUM_WORKERS
K = 5
TILE = CHUNK // K
LANES = 16
TBL_PAD = 96

_mesh = plsc.VectorSubcoreMesh(core_axis_name="c", subcore_axis_name="s")


@functools.partial(
    pl.kernel,
    mesh=_mesh,
    out_type=jax.ShapeDtypeStruct((N,), jnp.float32),
    scratch_types=[
        pltpu.VMEM((TILE,), jnp.float32),
        pltpu.VMEM((TILE,), jnp.float32),
        pltpu.VMEM((TILE,), jnp.int32),
        pltpu.VMEM((TILE,), jnp.int32),
        pltpu.VMEM((TBL_PAD,), jnp.float32),
        pltpu.VMEM((TBL_PAD,), jnp.float32),
        pltpu.SemaphoreType.DMA,
        pltpu.SemaphoreType.DMA,
        pltpu.SemaphoreType.DMA,
        pltpu.SemaphoreType.DMA,
    ],
    compiler_params=pltpu.CompilerParams(needs_layout_passes=False),
)
def _atom_scale_sc(e_hbm, z_hbm, scale_hbm, shift_hbm, out_hbm,
                   e0, e1, z0, z1, scale_v, shift_v,
                   sem_in0, sem_in1, sem_out0, sem_out1):
    wid = lax.axis_index("s") * NUM_CORES + lax.axis_index("c")
    base = wid * CHUNK

    e_bufs = (e0, e1)
    z_bufs = (z0, z1)
    sems_in = (sem_in0, sem_in1)
    sems_out = (sem_out0, sem_out1)

    t0 = pltpu.async_copy(scale_hbm, scale_v, sems_in[1])
    t1 = pltpu.async_copy(shift_hbm, shift_v, sems_in[1])

    def fire_in(k):
        b = k & 1
        off = base + k * TILE
        he = pltpu.async_copy(e_hbm.at[pl.ds(off, TILE)], e_bufs[b], sems_in[b])
        hz = pltpu.async_copy(z_hbm.at[pl.ds(off, TILE)], z_bufs[b], sems_in[b])
        return he, hz

    in_h = [None] * K
    in_h[0] = fire_in(0)
    t0.wait()
    t1.wait()

    out_h = [None] * K
    for k in range(K):
        b = k & 1
        if k + 1 < K:
            if k >= 1:
                out_h[k - 1][0].wait()
            in_h[k + 1] = fire_in(k + 1)
        in_h[k][0].wait()
        in_h[k][1].wait()
        ev = e_bufs[b]
        zv = z_bufs[b]

        @plsc.parallel_loop(0, TILE // LANES, unroll=8)
        def body(i):
            off = i * LANES
            idx = zv[pl.ds(off, LANES)]
            s = plsc.load_gather(scale_v, [idx])
            t = plsc.load_gather(shift_v, [idx])
            ev[pl.ds(off, LANES)] = s * ev[pl.ds(off, LANES)] + t

        out_h[k] = (
            pltpu.async_copy(
                ev, out_hbm.at[pl.ds(base + k * TILE, TILE)], sems_out[b]
            ),
        )

    out_h[K - 2][0].wait()
    out_h[K - 1][0].wait()


def kernel(atomic_energies, atomic_numbers, scale, shift):
    scale_p = jnp.pad(scale, (0, TBL_PAD - scale.shape[0]))
    shift_p = jnp.pad(shift, (0, TBL_PAD - shift.shape[0]))
    return _atom_scale_sc(atomic_energies, atomic_numbers, scale_p, shift_p)

# --- scband reference (transcript-rebuilt; emitter-appended) ---
"""Pipeline reference for scband-atom-scaling-18880676233719 (READ-ONLY COPY).

The authoritative reference and input builder live on the scoring server;
editing this copy changes nothing except your own understanding.
"""

import jax, jax.numpy as jnp
import numpy as np

N = 1600000
MAX_Z = 94

def setup_inputs(seed: int = 0) -> dict:
    key = jax.random.key(seed)
    k1, k2 = jax.random.split(key)
    atomic_energies = jax.random.normal(k1, (N,), dtype=jnp.float32)
    atomic_numbers = jax.random.randint(k2, (N,), 0, MAX_Z + 1, dtype=jnp.int32)
    # buffers: init_scale=None -> ones, init_shift=None -> zeros
    scale = jnp.ones((MAX_Z + 1,), dtype=jnp.float32)
    shift = jnp.zeros((MAX_Z + 1,), dtype=jnp.float32)
    return {
        "atomic_energies": atomic_energies,
        "atomic_numbers": atomic_numbers,
        "scale": scale,
        "shift": shift,
    }

def reference(atomic_energies, atomic_numbers, scale, shift):
    # transform: normalized = scale[z] * e + shift[z]
    curr_shift = jnp.take(shift, atomic_numbers, axis=0)
    curr_scale = jnp.take(scale, atomic_numbers, axis=0)
    normalized_energies = curr_scale * atomic_energies + curr_shift
    return normalized_energies

if __name__ == "__main__":
    import jax
    _d = setup_inputs()
    print(jax.jit(kernel)(*tuple(_d.values())))

</pallas_src>

<mosaic_0001>
#map = affine_map<(d0, d1) -> (0)>
module attributes {stable_mosaic.version = 14 : i64} {
  func.func @_atom_scale_sc(%arg0: i32, %arg1: i32, %arg2: memref<1600000xf32, #tpu.memory_space<hbm>>, %arg3: memref<1600000xi32, #tpu.memory_space<hbm>>, %arg4: memref<96xf32, #tpu.memory_space<hbm>>, %arg5: memref<96xf32, #tpu.memory_space<hbm>>, %arg6: memref<1600000xf32, #tpu.memory_space<hbm>>, %arg7: memref<10000xf32, #tpu.memory_space<vmem>>, %arg8: memref<10000xf32, #tpu.memory_space<vmem>>, %arg9: memref<10000xi32, #tpu.memory_space<vmem>>, %arg10: memref<10000xi32, #tpu.memory_space<vmem>>, %arg11: memref<96xf32, #tpu.memory_space<vmem>>, %arg12: memref<96xf32, #tpu.memory_space<vmem>>, %arg13: memref<!tpu.dma_semaphore, #tpu.memory_space<semaphore_mem>>, %arg14: memref<!tpu.dma_semaphore, #tpu.memory_space<semaphore_mem>>, %arg15: memref<!tpu.dma_semaphore, #tpu.memory_space<semaphore_mem>>, %arg16: memref<!tpu.dma_semaphore, #tpu.memory_space<semaphore_mem>>) attributes {dimension_semantics = [#tpu.dimension_semantics<core_parallel>, #tpu.dimension_semantics<subcore_parallel>], iteration_bounds = array<i64: 2, 16>, scalar_prefetch = 0 : i64, scratch_operands = 10 : i64, tpu.core_type = #tpu.core_type<sc_vector_subcore>, window_params = [{transform_indices = #map}, {transform_indices = #map}, {transform_indices = #map}, {transform_indices = #map}, {transform_indices = #map}]} {
    %mul3A = arith.constant 2 : i32
    %mul3A_0 = arith.muli %arg1, %mul3A : i32
    %add3A = arith.addi %mul3A_0, %arg0 : i32
    %mul3A_1 = arith.constant 50000 : i32
    %mul3A_2 = arith.muli %add3A, %mul3A_1 : i32
    tpu.enqueue_dma source(%arg4 : memref<96xf32, #tpu.memory_space<hbm>>) target(%arg11 : memref<96xf32, #tpu.memory_space<vmem>>) target_semaphore(%arg14 : memref<!tpu.dma_semaphore, #tpu.memory_space<semaphore_mem>>)
    tpu.enqueue_dma source(%arg5 : memref<96xf32, #tpu.memory_space<hbm>>) target(%arg12 : memref<96xf32, #tpu.memory_space<vmem>>) target_semaphore(%arg14 : memref<!tpu.dma_semaphore, #tpu.memory_space<semaphore_mem>>)
    %add3A_3 = arith.constant 0 : i32
    %add3A_4 = arith.addi %mul3A_2, %add3A_3 : i32
    %dma_start3A = tpu.memref_slice %arg2[%add3A_4] : memref<1600000xf32, #tpu.memory_space<hbm>> -> memref<10000xf32, #tpu.memory_space<hbm>>
    %dma_start3A_5 = tpu.memref_slice %arg2[%add3A_4] : memref<1600000xf32, #tpu.memory_space<hbm>> -> memref<10000xf32, #tpu.memory_space<hbm>>
    tpu.enqueue_dma source(%dma_start3A_5 : memref<10000xf32, #tpu.memory_space<hbm>>) target(%arg7 : memref<10000xf32, #tpu.memory_space<vmem>>) target_semaphore(%arg13 : memref<!tpu.dma_semaphore, #tpu.memory_space<semaphore_mem>>)
    %dma_start3A_6 = tpu.memref_slice %arg3[%add3A_4] : memref<1600000xi32, #tpu.memory_space<hbm>> -> memref<10000xi32, #tpu.memory_space<hbm>>
    %dma_start3A_7 = tpu.memref_slice %arg3[%add3A_4] : memref<1600000xi32, #tpu.memory_space<hbm>> -> memref<10000xi32, #tpu.memory_space<hbm>>
    tpu.enqueue_dma source(%dma_start3A_7 : memref<10000xi32, #tpu.memory_space<hbm>>) target(%arg9 : memref<10000xi32, #tpu.memory_space<vmem>>) target_semaphore(%arg13 : memref<!tpu.dma_semaphore, #tpu.memory_space<semaphore_mem>>)
    tpu.wait_dma2 semaphore(%arg14 : memref<!tpu.dma_semaphore, #tpu.memory_space<semaphore_mem>>) src(%arg4 : memref<96xf32, #tpu.memory_space<hbm>>) dst(%arg11 : memref<96xf32, #tpu.memory_space<vmem>>)
    tpu.wait_dma2 semaphore(%arg14 : memref<!tpu.dma_semaphore, #tpu.memory_space<semaphore_mem>>) src(%arg5 : memref<96xf32, #tpu.memory_space<hbm>>) dst(%arg12 : memref<96xf32, #tpu.memory_space<vmem>>)
    %add3A_8 = arith.constant 10000 : i32
    %add3A_9 = arith.addi %mul3A_2, %add3A_8 : i32
    %dma_start3A_10 = tpu.memref_slice %arg2[%add3A_9] : memref<1600000xf32, #tpu.memory_space<hbm>> -> memref<10000xf32, #tpu.memory_space<hbm>>
    %dma_start3A_11 = tpu.memref_slice %arg2[%add3A_9] : memref<1600000xf32, #tpu.memory_space<hbm>> -> memref<10000xf32, #tpu.memory_space<hbm>>
    tpu.enqueue_dma source(%dma_start3A_11 : memref<10000xf32, #tpu.memory_space<hbm>>) target(%arg8 : memref<10000xf32, #tpu.memory_space<vmem>>) target_semaphore(%arg14 : memref<!tpu.dma_semaphore, #tpu.memory_space<semaphore_mem>>)
    %dma_start3A_12 = tpu.memref_slice %arg3[%add3A_9] : memref<1600000xi32, #tpu.memory_space<hbm>> -> memref<10000xi32, #tpu.memory_space<hbm>>
    %dma_start3A_13 = tpu.memref_slice %arg3[%add3A_9] : memref<1600000xi32, #tpu.memory_space<hbm>> -> memref<10000xi32, #tpu.memory_space<hbm>>
    tpu.enqueue_dma source(%dma_start3A_13 : memref<10000xi32, #tpu.memory_space<hbm>>) target(%arg10 : memref<10000xi32, #tpu.memory_space<vmem>>) target_semaphore(%arg14 : memref<!tpu.dma_semaphore, #tpu.memory_space<semaphore_mem>>)
    %dma_wait3A = tpu.memref_slice %arg2[%add3A_4] : memref<1600000xf32, #tpu.memory_space<hbm>> -> memref<10000xf32, #tpu.memory_space<hbm>>
    %dma_wait3A_14 = tpu.memref_slice %arg2[%add3A_4] : memref<1600000xf32, #tpu.memory_space<hbm>> -> memref<10000xf32, #tpu.memory_space<hbm>>
    tpu.wait_dma2 semaphore(%arg13 : memref<!tpu.dma_semaphore, #tpu.memory_space<semaphore_mem>>) src(%dma_wait3A_14 : memref<10000xf32, #tpu.memory_space<hbm>>) dst(%arg7 : memref<10000xf32, #tpu.memory_space<vmem>>)
    %dma_wait3A_15 = tpu.memref_slice %arg3[%add3A_4] : memref<1600000xi32, #tpu.memory_space<hbm>> -> memref<10000xi32, #tpu.memory_space<hbm>>
    %dma_wait3A_16 = tpu.memref_slice %arg3[%add3A_4] : memref<1600000xi32, #tpu.memory_space<hbm>> -> memref<10000xi32, #tpu.memory_space<hbm>>
    tpu.wait_dma2 semaphore(%arg13 : memref<!tpu.dma_semaphore, #tpu.memory_space<semaphore_mem>>) src(%dma_wait3A_16 : memref<10000xi32, #tpu.memory_space<hbm>>) dst(%arg9 : memref<10000xi32, #tpu.memory_space<vmem>>)
    %parallel_loop3A = arith.constant 0 : i32
    %parallel_loop3A_17 = arith.constant 625 : i32
    %parallel_loop3A_18 = arith.constant 1 : i32
    scf.for %parallel_loop3A_95 = %parallel_loop3A to %parallel_loop3A_17 step %parallel_loop3A_18  : i32 {
      %parallel_loop3A_96 = arith.constant 16 : i32
      %parallel_loop3A_97 = arith.muli %parallel_loop3A_95, %parallel_loop3A_96 : i32
      %parallel_loop3A_98 = arith.index_cast %parallel_loop3A_97 : i32 to index
      %parallel_loop3A_99 = tpu.vector_load %arg9[%parallel_loop3A_98] {strides = array<i32>} : memref<10000xi32, #tpu.memory_space<vmem>>, vector<16xi32>,
      %parallel_loop3A_100 = tpu.vector_load_idx %arg11[%parallel_loop3A_99] : memref<96xf32, #tpu.memory_space<vmem>>[vector<16xi32>], vector<16xf32>,
      %parallel_loop3A_101 = tpu.vector_load_idx %arg12[%parallel_loop3A_99] : memref<96xf32, #tpu.memory_space<vmem>>[vector<16xi32>], vector<16xf32>,
      %parallel_loop3A_102 = arith.index_cast %parallel_loop3A_97 : i32 to index
      %parallel_loop3A_103 = tpu.vector_load %arg7[%parallel_loop3A_102] {strides = array<i32>} : memref<10000xf32, #tpu.memory_space<vmem>>, vector<16xf32>,
      %parallel_loop3A_104 = arith.mulf %parallel_loop3A_100, %parallel_loop3A_103 : vector<16xf32>
      %parallel_loop3A_105 = arith.addf %parallel_loop3A_104, %parallel_loop3A_101 : vector<16xf32>
      %parallel_loop3A_106 = arith.index_cast %parallel_loop3A_97 : i32 to index
      %parallel_loop3A_107 = tpu.vector_load %arg7[%parallel_loop3A_106] {strides = array<i32>} : memref<10000xf32, #tpu.memory_space<vmem>>, vector<16xf32>,
      tpu.vector_store %arg7[%parallel_loop3A_106], %parallel_loop3A_105 {strides = array<i32>} : memref<10000xf32, #tpu.memory_space<vmem>>, vector<16xf32>,
    } {sc.loop_unroll_factor = 8 : i64, sc.parallel_access}
    %add3A_19 = arith.constant 0 : i32
    %add3A_20 = arith.addi %mul3A_2, %add3A_19 : i32
    %dma_start3A_21 = tpu.memref_slice %arg6[%add3A_20] : memref<1600000xf32, #tpu.memory_space<hbm>> -> memref<10000xf32, #tpu.memory_space<hbm>>
    %dma_start3A_22 = tpu.memref_slice %arg6[%add3A_20] : memref<1600000xf32, #tpu.memory_space<hbm>> -> memref<10000xf32, #tpu.memory_space<hbm>>
    tpu.enqueue_dma source(%arg7 : memref<10000xf32, #tpu.memory_space<vmem>>) target(%dma_start3A_22 : memref<10000xf32, #tpu.memory_space<hbm>>) target_semaphore(%arg15 : memref<!tpu.dma_semaphore, #tpu.memory_space<semaphore_mem>>)
    %dma_wait3A_23 = tpu.memref_slice %arg6[%add3A_20] : memref<1600000xf32, #tpu.memory_space<hbm>> -> memref<10000xf32, #tpu.memory_space<hbm>>
    %dma_wait3A_24 = tpu.memref_slice %arg6[%add3A_20] : memref<1600000xf32, #tpu.memory_space<hbm>> -> memref<10000xf32, #tpu.memory_space<hbm>>
    tpu.wait_dma2 semaphore(%arg15 : memref<!tpu.dma_semaphore, #tpu.memory_space<semaphore_mem>>) src(%arg7 : memref<10000xf32, #tpu.memory_space<vmem>>) dst(%dma_wait3A_24 : memref<10000xf32, #tpu.memory_space<hbm>>)
    %add3A_25 = arith.constant 20000 : i32
    %add3A_26 = arith.addi %mul3A_2, %add3A_25 : i32
    %dma_start3A_27 = tpu.memref_slice %arg2[%add3A_26] : memref<1600000xf32, #tpu.memory_space<hbm>> -> memref<10000xf32, #tpu.memory_space<hbm>>
    %dma_start3A_28 = tpu.memref_slice %arg2[%add3A_26] : memref<1600000xf32, #tpu.memory_space<hbm>> -> memref<10000xf32, #tpu.memory_space<hbm>>
    tpu.enqueue_dma source(%dma_start3A_28 : memref<10000xf32, #tpu.memory_space<hbm>>) target(%arg7 : memref<10000xf32, #tpu.memory_space<vmem>>) target_semaphore(%arg13 : memref<!tpu.dma_semaphore, #tpu.memory_space<semaphore_mem>>)
    %dma_start3A_29 = tpu.memref_slice %arg3[%add3A_26] : memref<1600000xi32, #tpu.memory_space<hbm>> -> memref<10000xi32, #tpu.memory_space<hbm>>
    %dma_start3A_30 = tpu.memref_slice %arg3[%add3A_26] : memref<1600000xi32, #tpu.memory_space<hbm>> -> memref<10000xi32, #tpu.memory_space<hbm>>
    tpu.enqueue_dma source(%dma_start3A_30 : memref<10000xi32, #tpu.memory_space<hbm>>) target(%arg9 : memref<10000xi32, #tpu.memory_space<vmem>>) target_semaphore(%arg13 : memref<!tpu.dma_semaphore, #tpu.memory_space<semaphore_mem>>)
    %dma_wait3A_31 = tpu.memref_slice %arg2[%add3A_9] : memref<1600000xf32, #tpu.memory_space<hbm>> -> memref<10000xf32, #tpu.memory_space<hbm>>
    %dma_wait3A_32 = tpu.memref_slice %arg2[%add3A_9] : memref<1600000xf32, #tpu.memory_space<hbm>> -> memref<10000xf32, #tpu.memory_space<hbm>>
    tpu.wait_dma2 semaphore(%arg14 : memref<!tpu.dma_semaphore, #tpu.memory_space<semaphore_mem>>) src(%dma_wait3A_32 : memref<10000xf32, #tpu.memory_space<hbm>>) dst(%arg8 : memref<10000xf32, #tpu.memory_space<vmem>>)
    %dma_wait3A_33 = tpu.memref_slice %arg3[%add3A_9] : memref<1600000xi32, #tpu.memory_space<hbm>> -> memref<10000xi32, #tpu.memory_space<hbm>>
    %dma_wait3A_34 = tpu.memref_slice %arg3[%add3A_9] : memref<1600000xi32, #tpu.memory_space<hbm>> -> memref<10000xi32, #tpu.memory_space<hbm>>
    tpu.wait_dma2 semaphore(%arg14 : memref<!tpu.dma_semaphore, #tpu.memory_space<semaphore_mem>>) src(%dma_wait3A_34 : memref<10000xi32, #tpu.memory_space<hbm>>) dst(%arg10 : memref<10000xi32, #tpu.memory_space<vmem>>)
    %parallel_loop3A_35 = arith.constant 0 : i32
    %parallel_loop3A_36 = arith.constant 625 : i32
    %parallel_loop3A_37 = arith.constant 1 : i32
    scf.for %parallel_loop3A_95 = %parallel_loop3A_35 to %parallel_loop3A_36 step %parallel_loop3A_37  : i32 {
      %parallel_loop3A_96 = arith.constant 16 : i32
      %parallel_loop3A_97 = arith.muli %parallel_loop3A_95, %parallel_loop3A_96 : i32
      %parallel_loop3A_98 = arith.index_cast %parallel_loop3A_97 : i32 to index
      %parallel_loop3A_99 = tpu.vector_load %arg10[%parallel_loop3A_98] {strides = array<i32>} : memref<10000xi32, #tpu.memory_space<vmem>>, vector<16xi32>,
      %parallel_loop3A_100 = tpu.vector_load_idx %arg11[%parallel_loop3A_99] : memref<96xf32, #tpu.memory_space<vmem>>[vector<16xi32>], vector<16xf32>,
      %parallel_loop3A_101 = tpu.vector_load_idx %arg12[%parallel_loop3A_99] : memref<96xf32, #tpu.memory_space<vmem>>[vector<16xi32>], vector<16xf32>,
      %parallel_loop3A_102 = arith.index_cast %parallel_loop3A_97 : i32 to index
      %parallel_loop3A_103 = tpu.vector_load %arg8[%parallel_loop3A_102] {strides = array<i32>} : memref<10000xf32, #tpu.memory_space<vmem>>, vector<16xf32>,
      %parallel_loop3A_104 = arith.mulf %parallel_loop3A_100, %parallel_loop3A_103 : vector<16xf32>
      %parallel_loop3A_105 = arith.addf %parallel_loop3A_104, %parallel_loop3A_101 : vector<16xf32>
      %parallel_loop3A_106 = arith.index_cast %parallel_loop3A_97 : i32 to index
      %parallel_loop3A_107 = tpu.vector_load %arg8[%parallel_loop3A_106] {strides = array<i32>} : memref<10000xf32, #tpu.memory_space<vmem>>, vector<16xf32>,
      tpu.vector_store %arg8[%parallel_loop3A_106], %parallel_loop3A_105 {strides = array<i32>} : memref<10000xf32, #tpu.memory_space<vmem>>, vector<16xf32>,
    } {sc.loop_unroll_factor = 8 : i64, sc.parallel_access}
    %add3A_38 = arith.constant 10000 : i32
    %add3A_39 = arith.addi %mul3A_2, %add3A_38 : i32
    %dma_start3A_40 = tpu.memref_slice %arg6[%add3A_39] : memref<1600000xf32, #tpu.memory_space<hbm>> -> memref<10000xf32, #tpu.memory_space<hbm>>
    %dma_start3A_41 = tpu.memref_slice %arg6[%add3A_39] : memref<1600000xf32, #tpu.memory_space<hbm>> -> memref<10000xf32, #tpu.memory_space<hbm>>
    tpu.enqueue_dma source(%arg8 : memref<10000xf32, #tpu.memory_space<vmem>>) target(%dma_start3A_41 : memref<10000xf32, #tpu.memory_space<hbm>>) target_semaphore(%arg16 : memref<!tpu.dma_semaphore, #tpu.memory_space<semaphore_mem>>)
    %dma_wait3A_42 = tpu.memref_slice %arg6[%add3A_39] : memref<1600000xf32, #tpu.memory_space<hbm>> -> memref<10000xf32, #tpu.memory_space<hbm>>
    %dma_wait3A_43 = tpu.memref_slice %arg6[%add3A_39] : memref<1600000xf32, #tpu.memory_space<hbm>> -> memref<10000xf32, #tpu.memory_space<hbm>>
    tpu.wait_dma2 semaphore(%arg16 : memref<!tpu.dma_semaphore, #tpu.memory_space<semaphore_mem>>) src(%arg8 : memref<10000xf32, #tpu.memory_space<vmem>>) dst(%dma_wait3A_43 : memref<10000xf32, #tpu.memory_space<hbm>>)
    %add3A_44 = arith.constant 30000 : i32
    %add3A_45 = arith.addi %mul3A_2, %add3A_44 : i32
    %dma_start3A_46 = tpu.memref_slice %arg2[%add3A_45] : memref<1600000xf32, #tpu.memory_space<hbm>> -> memref<10000xf32, #tpu.memory_space<hbm>>
    %dma_start3A_47 = tpu.memref_slice %arg2[%add3A_45] : memref<1600000xf32, #tpu.memory_space<hbm>> -> memref<10000xf32, #tpu.memory_space<hbm>>
    tpu.enqueue_dma source(%dma_start3A_47 : memref<10000xf32, #tpu.memory_space<hbm>>) target(%arg8 : memref<10000xf32, #tpu.memory_space<vmem>>) target_semaphore(%arg14 : memref<!tpu.dma_semaphore, #tpu.memory_space<semaphore_mem>>)
    %dma_start3A_48 = tpu.memref_slice %arg3[%add3A_45] : memref<1600000xi32, #tpu.memory_space<hbm>> -> memref<10000xi32, #tpu.memory_space<hbm>>
    %dma_start3A_49 = tpu.memref_slice %arg3[%add3A_45] : memref<1600000xi32, #tpu.memory_space<hbm>> -> memref<10000xi32, #tpu.memory_space<hbm>>
    tpu.enqueue_dma source(%dma_start3A_49 : memref<10000xi32, #tpu.memory_space<hbm>>) target(%arg10 : memref<10000xi32, #tpu.memory_space<vmem>>) target_semaphore(%arg14 : memref<!tpu.dma_semaphore, #tpu.memory_space<semaphore_mem>>)
    %dma_wait3A_50 = tpu.memref_slice %arg2[%add3A_26] : memref<1600000xf32, #tpu.memory_space<hbm>> -> memref<10000xf32, #tpu.memory_space<hbm>>
    %dma_wait3A_51 = tpu.memref_slice %arg2[%add3A_26] : memref<1600000xf32, #tpu.memory_space<hbm>> -> memref<10000xf32, #tpu.memory_space<hbm>>
    tpu.wait_dma2 semaphore(%arg13 : memref<!tpu.dma_semaphore, #tpu.memory_space<semaphore_mem>>) src(%dma_wait3A_51 : memref<10000xf32, #tpu.memory_space<hbm>>) dst(%arg7 : memref<10000xf32, #tpu.memory_space<vmem>>)
    %dma_wait3A_52 = tpu.memref_slice %arg3[%add3A_26] : memref<1600000xi32, #tpu.memory_space<hbm>> -> memref<10000xi32, #tpu.memory_space<hbm>>
    %dma_wait3A_53 = tpu.memref_slice %arg3[%add3A_26] : memref<1600000xi32, #tpu.memory_space<hbm>> -> memref<10000xi32, #tpu.memory_space<hbm>>
    tpu.wait_dma2 semaphore(%arg13 : memref<!tpu.dma_semaphore, #tpu.memory_space<semaphore_mem>>) src(%dma_wait3A_53 : memref<10000xi32, #tpu.memory_space<hbm>>) dst(%arg9 : memref<10000xi32, #tpu.memory_space<vmem>>)
    %parallel_loop3A_54 = arith.constant 0 : i32
    %parallel_loop3A_55 = arith.constant 625 : i32
    %parallel_loop3A_56 = arith.constant 1 : i32
    scf.for %parallel_loop3A_95 = %parallel_loop3A_54 to %parallel_loop3A_55 step %parallel_loop3A_56  : i32 {
      %parallel_loop3A_96 = arith.constant 16 : i32
      %parallel_loop3A_97 = arith.muli %parallel_loop3A_95, %parallel_loop3A_96 : i32
      %parallel_loop3A_98 = arith.index_cast %parallel_loop3A_97 : i32 to index
      %parallel_loop3A_99 = tpu.vector_load %arg9[%parallel_loop3A_98] {strides = array<i32>} : memref<10000xi32, #tpu.memory_space<vmem>>, vector<16xi32>,
      %parallel_loop3A_100 = tpu.vector_load_idx %arg11[%parallel_loop3A_99] : memref<96xf32, #tpu.memory_space<vmem>>[vector<16xi32>], vector<16xf32>,
      %parallel_loop3A_101 = tpu.vector_load_idx %arg12[%parallel_loop3A_99] : memref<96xf32, #tpu.memory_space<vmem>>[vector<16xi32>], vector<16xf32>,
      %parallel_loop3A_102 = arith.index_cast %parallel_loop3A_97 : i32 to index
      %parallel_loop3A_103 = tpu.vector_load %arg7[%parallel_loop3A_102] {strides = array<i32>} : memref<10000xf32, #tpu.memory_space<vmem>>, vector<16xf32>,
      %parallel_loop3A_104 = arith.mulf %parallel_loop3A_100, %parallel_loop3A_103 : vector<16xf32>
      %parallel_loop3A_105 = arith.addf %parallel_loop3A_104, %parallel_loop3A_101 : vector<16xf32>
      %parallel_loop3A_106 = arith.index_cast %parallel_loop3A_97 : i32 to index
      %parallel_loop3A_107 = tpu.vector_load %arg7[%parallel_loop3A_106] {strides = array<i32>} : memref<10000xf32, #tpu.memory_space<vmem>>, vector<16xf32>,
      tpu.vector_store %arg7[%parallel_loop3A_106], %parallel_loop3A_105 {strides = array<i32>} : memref<10000xf32, #tpu.memory_space<vmem>>, vector<16xf32>,
    } {sc.loop_unroll_factor = 8 : i64, sc.parallel_access}
    %add3A_57 = arith.constant 20000 : i32
    %add3A_58 = arith.addi %mul3A_2, %add3A_57 : i32
    %dma_start3A_59 = tpu.memref_slice %arg6[%add3A_58] : memref<1600000xf32, #tpu.memory_space<hbm>> -> memref<10000xf32, #tpu.memory_space<hbm>>
    %dma_start3A_60 = tpu.memref_slice %arg6[%add3A_58] : memref<1600000xf32, #tpu.memory_space<hbm>> -> memref<10000xf32, #tpu.memory_space<hbm>>
    tpu.enqueue_dma source(%arg7 : memref<10000xf32, #tpu.memory_space<vmem>>) target(%dma_start3A_60 : memref<10000xf32, #tpu.memory_space<hbm>>) target_semaphore(%arg15 : memref<!tpu.dma_semaphore, #tpu.memory_space<semaphore_mem>>)
    %dma_wait3A_61 = tpu.memref_slice %arg6[%add3A_58] : memref<1600000xf32, #tpu.memory_space<hbm>> -> memref<10000xf32, #tpu.memory_space<hbm>>
    %dma_wait3A_62 = tpu.memref_slice %arg6[%add3A_58] : memref<1600000xf32, #tpu.memory_space<hbm>> -> memref<10000xf32, #tpu.memory_space<hbm>>
    tpu.wait_dma2 semaphore(%arg15 : memref<!tpu.dma_semaphore, #tpu.memory_space<semaphore_mem>>) src(%arg7 : memref<10000xf32, #tpu.memory_space<vmem>>) dst(%dma_wait3A_62 : memref<10000xf32, #tpu.memory_space<hbm>>)
    %add3A_63 = arith.constant 40000 : i32
    %add3A_64 = arith.addi %mul3A_2, %add3A_63 : i32
    %dma_start3A_65 = tpu.memref_slice %arg2[%add3A_64] : memref<1600000xf32, #tpu.memory_space<hbm>> -> memref<10000xf32, #tpu.memory_space<hbm>>
    %dma_start3A_66 = tpu.memref_slice %arg2[%add3A_64] : memref<1600000xf32, #tpu.memory_space<hbm>> -> memref<10000xf32, #tpu.memory_space<hbm>>
    tpu.enqueue_dma source(%dma_start3A_66 : memref<10000xf32, #tpu.memory_space<hbm>>) target(%arg7 : memref<10000xf32, #tpu.memory_space<vmem>>) target_semaphore(%arg13 : memref<!tpu.dma_semaphore, #tpu.memory_space<semaphore_mem>>)
    %dma_start3A_67 = tpu.memref_slice %arg3[%add3A_64] : memref<1600000xi32, #tpu.memory_space<hbm>> -> memref<10000xi32, #tpu.memory_space<hbm>>
    %dma_start3A_68 = tpu.memref_slice %arg3[%add3A_64] : memref<1600000xi32, #tpu.memory_space<hbm>> -> memref<10000xi32, #tpu.memory_space<hbm>>
    tpu.enqueue_dma source(%dma_start3A_68 : memref<10000xi32, #tpu.memory_space<hbm>>) target(%arg9 : memref<10000xi32, #tpu.memory_space<vmem>>) target_semaphore(%arg13 : memref<!tpu.dma_semaphore, #tpu.memory_space<semaphore_mem>>)
    %dma_wait3A_69 = tpu.memref_slice %arg2[%add3A_45] : memref<1600000xf32, #tpu.memory_space<hbm>> -> memref<10000xf32, #tpu.memory_space<hbm>>
    %dma_wait3A_70 = tpu.memref_slice %arg2[%add3A_45] : memref<1600000xf32, #tpu.memory_space<hbm>> -> memref<10000xf32, #tpu.memory_space<hbm>>
    tpu.wait_dma2 semaphore(%arg14 : memref<!tpu.dma_semaphore, #tpu.memory_space<semaphore_mem>>) src(%dma_wait3A_70 : memref<10000xf32, #tpu.memory_space<hbm>>) dst(%arg8 : memref<10000xf32, #tpu.memory_space<vmem>>)
    %dma_wait3A_71 = tpu.memref_slice %arg3[%add3A_45] : memref<1600000xi32, #tpu.memory_space<hbm>> -> memref<10000xi32, #tpu.memory_space<hbm>>
    %dma_wait3A_72 = tpu.memref_slice %arg3[%add3A_45] : memref<1600000xi32, #tpu.memory_space<hbm>> -> memref<10000xi32, #tpu.memory_space<hbm>>
    tpu.wait_dma2 semaphore(%arg14 : memref<!tpu.dma_semaphore, #tpu.memory_space<semaphore_mem>>) src(%dma_wait3A_72 : memref<10000xi32, #tpu.memory_space<hbm>>) dst(%arg10 : memref<10000xi32, #tpu.memory_space<vmem>>)
    %parallel_loop3A_73 = arith.constant 0 : i32
    %parallel_loop3A_74 = arith.constant 625 : i32
    %parallel_loop3A_75 = arith.constant 1 : i32
    scf.for %parallel_loop3A_95 = %parallel_loop3A_73 to %parallel_loop3A_74 step %parallel_loop3A_75  : i32 {
      %parallel_loop3A_96 = arith.constant 16 : i32
      %parallel_loop3A_97 = arith.muli %parallel_loop3A_95, %parallel_loop3A_96 : i32
      %parallel_loop3A_98 = arith.index_cast %parallel_loop3A_97 : i32 to index
      %parallel_loop3A_99 = tpu.vector_load %arg10[%parallel_loop3A_98] {strides = array<i32>} : memref<10000xi32, #tpu.memory_space<vmem>>, vector<16xi32>,
      %parallel_loop3A_100 = tpu.vector_load_idx %arg11[%parallel_loop3A_99] : memref<96xf32, #tpu.memory_space<vmem>>[vector<16xi32>], vector<16xf32>,
      %parallel_loop3A_101 = tpu.vector_load_idx %arg12[%parallel_loop3A_99] : memref<96xf32, #tpu.memory_space<vmem>>[vector<16xi32>], vector<16xf32>,
      %parallel_loop3A_102 = arith.index_cast %parallel_loop3A_97 : i32 to index
      %parallel_loop3A_103 = tpu.vector_load %arg8[%parallel_loop3A_102] {strides = array<i32>} : memref<10000xf32, #tpu.memory_space<vmem>>, vector<16xf32>,
      %parallel_loop3A_104 = arith.mulf %parallel_loop3A_100, %parallel_loop3A_103 : vector<16xf32>
      %parallel_loop3A_105 = arith.addf %parallel_loop3A_104, %parallel_loop3A_101 : vector<16xf32>
      %parallel_loop3A_106 = arith.index_cast %parallel_loop3A_97 : i32 to index
      %parallel_loop3A_107 = tpu.vector_load %arg8[%parallel_loop3A_106] {strides = array<i32>} : memref<10000xf32, #tpu.memory_space<vmem>>, vector<16xf32>,
      tpu.vector_store %arg8[%parallel_loop3A_106], %parallel_loop3A_105 {strides = array<i32>} : memref<10000xf32, #tpu.memory_space<vmem>>, vector<16xf32>,
    } {sc.loop_unroll_factor = 8 : i64, sc.parallel_access}
    %add3A_76 = arith.constant 30000 : i32
    %add3A_77 = arith.addi %mul3A_2, %add3A_76 : i32
    %dma_start3A_78 = tpu.memref_slice %arg6[%add3A_77] : memref<1600000xf32, #tpu.memory_space<hbm>> -> memref<10000xf32, #tpu.memory_space<hbm>>
    %dma_start3A_79 = tpu.memref_slice %arg6[%add3A_77] : memref<1600000xf32, #tpu.memory_space<hbm>> -> memref<10000xf32, #tpu.memory_space<hbm>>
    tpu.enqueue_dma source(%arg8 : memref<10000xf32, #tpu.memory_space<vmem>>) target(%dma_start3A_79 : memref<10000xf32, #tpu.memory_space<hbm>>) target_semaphore(%arg16 : memref<!tpu.dma_semaphore, #tpu.memory_space<semaphore_mem>>)
    %dma_wait3A_80 = tpu.memref_slice %arg2[%add3A_64] : memref<1600000xf32, #tpu.memory_space<hbm>> -> memref<10000xf32, #tpu.memory_space<hbm>>
    %dma_wait3A_81 = tpu.memref_slice %arg2[%add3A_64] : memref<1600000xf32, #tpu.memory_space<hbm>> -> memref<10000xf32, #tpu.memory_space<hbm>>
    tpu.wait_dma2 semaphore(%arg13 : memref<!tpu.dma_semaphore, #tpu.memory_space<semaphore_mem>>) src(%dma_wait3A_81 : memref<10000xf32, #tpu.memory_space<hbm>>) dst(%arg7 : memref<10000xf32, #tpu.memory_space<vmem>>)
    %dma_wait3A_82 = tpu.memref_slice %arg3[%add3A_64] : memref<1600000xi32, #tpu.memory_space<hbm>> -> memref<10000xi32, #tpu.memory_space<hbm>>
    %dma_wait3A_83 = tpu.memref_slice %arg3[%add3A_64] : memref<1600000xi32, #tpu.memory_space<hbm>> -> memref<10000xi32, #tpu.memory_space<hbm>>
    tpu.wait_dma2 semaphore(%arg13 : memref<!tpu.dma_semaphore, #tpu.memory_space<semaphore_mem>>) src(%dma_wait3A_83 : memref<10000xi32, #tpu.memory_space<hbm>>) dst(%arg9 : memref<10000xi32, #tpu.memory_space<vmem>>)
    %parallel_loop3A_84 = arith.constant 0 : i32
    %parallel_loop3A_85 = arith.constant 625 : i32
    %parallel_loop3A_86 = arith.constant 1 : i32
    scf.for %parallel_loop3A_95 = %parallel_loop3A_84 to %parallel_loop3A_85 step %parallel_loop3A_86  : i32 {
      %parallel_loop3A_96 = arith.constant 16 : i32
      %parallel_loop3A_97 = arith.muli %parallel_loop3A_95, %parallel_loop3A_96 : i32
      %parallel_loop3A_98 = arith.index_cast %parallel_loop3A_97 : i32 to index
      %parallel_loop3A_99 = tpu.vector_load %arg9[%parallel_loop3A_98] {strides = array<i32>} : memref<10000xi32, #tpu.memory_space<vmem>>, vector<16xi32>,
      %parallel_loop3A_100 = tpu.vector_load_idx %arg11[%parallel_loop3A_99] : memref<96xf32, #tpu.memory_space<vmem>>[vector<16xi32>], vector<16xf32>,
      %parallel_loop3A_101 = tpu.vector_load_idx %arg12[%parallel_loop3A_99] : memref<96xf32, #tpu.memory_space<vmem>>[vector<16xi32>], vector<16xf32>,
      %parallel_loop3A_102 = arith.index_cast %parallel_loop3A_97 : i32 to index
      %parallel_loop3A_103 = tpu.vector_load %arg7[%parallel_loop3A_102] {strides = array<i32>} : memref<10000xf32, #tpu.memory_space<vmem>>, vector<16xf32>,
      %parallel_loop3A_104 = arith.mulf %parallel_loop3A_100, %parallel_loop3A_103 : vector<16xf32>
      %parallel_loop3A_105 = arith.addf %parallel_loop3A_104, %parallel_loop3A_101 : vector<16xf32>
      %parallel_loop3A_106 = arith.index_cast %parallel_loop3A_97 : i32 to index
      %parallel_loop3A_107 = tpu.vector_load %arg7[%parallel_loop3A_106] {strides = array<i32>} : memref<10000xf32, #tpu.memory_space<vmem>>, vector<16xf32>,
      tpu.vector_store %arg7[%parallel_loop3A_106], %parallel_loop3A_105 {strides = array<i32>} : memref<10000xf32, #tpu.memory_space<vmem>>, vector<16xf32>,
    } {sc.loop_unroll_factor = 8 : i64, sc.parallel_access}
    %add3A_87 = arith.constant 40000 : i32
    %add3A_88 = arith.addi %mul3A_2, %add3A_87 : i32
    %dma_start3A_89 = tpu.memref_slice %arg6[%add3A_88] : memref<1600000xf32, #tpu.memory_space<hbm>> -> memref<10000xf32, #tpu.memory_space<hbm>>
    %dma_start3A_90 = tpu.memref_slice %arg6[%add3A_88] : memref<1600000xf32, #tpu.memory_space<hbm>> -> memref<10000xf32, #tpu.memory_space<hbm>>
    tpu.enqueue_dma source(%arg7 : memref<10000xf32, #tpu.memory_space<vmem>>) target(%dma_start3A_90 : memref<10000xf32, #tpu.memory_space<hbm>>) target_semaphore(%arg15 : memref<!tpu.dma_semaphore, #tpu.memory_space<semaphore_mem>>)
    %dma_wait3A_91 = tpu.memref_slice %arg6[%add3A_77] : memref<1600000xf32, #tpu.memory_space<hbm>> -> memref<10000xf32, #tpu.memory_space<hbm>>
    %dma_wait3A_92 = tpu.memref_slice %arg6[%add3A_77] : memref<1600000xf32, #tpu.memory_space<hbm>> -> memref<10000xf32, #tpu.memory_space<hbm>>
    tpu.wait_dma2 semaphore(%arg16 : memref<!tpu.dma_semaphore, #tpu.memory_space<semaphore_mem>>) src(%arg8 : memref<10000xf32, #tpu.memory_space<vmem>>) dst(%dma_wait3A_92 : memref<10000xf32, #tpu.memory_space<hbm>>)
    %dma_wait3A_93 = tpu.memref_slice %arg6[%add3A_88] : memref<1600000xf32, #tpu.memory_space<hbm>> -> memref<10000xf32, #tpu.memory_space<hbm>>
    %dma_wait3A_94 = tpu.memref_slice %arg6[%add3A_88] : memref<1600000xf32, #tpu.memory_space<hbm>> -> memref<10000xf32, #tpu.memory_space<hbm>>
    tpu.wait_dma2 semaphore(%arg15 : memref<!tpu.dma_semaphore, #tpu.memory_space<semaphore_mem>>) src(%arg7 : memref<10000xf32, #tpu.memory_space<vmem>>) dst(%dma_wait3A_94 : memref<10000xf32, #tpu.memory_space<hbm>>)
    return
  }
}

</mosaic_0001>

<sc_bundles>
// kernel: kernel.3.cloned.1.call-start
scs
__scs_entry_jumppad:
0x0: {  	(pc) =	sbr.rel $0x88, $3  }
0x1: {  	(tag) =	ssettag $0x0;
	lr =	simm.s32 $0x1  }
0x2: {  	[smem:$0x3F9D] =	sst lr;
	_ =	strace $0xD0000000  }
0x3: {  	_ = 	snop  }
0x4: {  	_ = 	snop  }
0x5: {  	_ = 	snop  }
0x6: {  	_ = 	snop  }
0x7: {  	_ = 	snop  }
__scs_overlays_trampoline_lowered:
0x8: {  	[smem:$0x3FAC] =	sst s0  }
0x9: {  	[smem:$0x3FAD] =	sst s1  }
0xa: {  	[smem:$0x3FAE] =	sst s2  }
0xb: {  	[smem:$0x3FAF] =	sst s3  }
0xc: {  	[smem:$0x3FB0] =	sst s4  }
0xd: {  	[smem:$0x3FB1] =	sst s5  }
0xe: {  	[smem:$0x3FB2] =	sst s6  }
0xf: {  	[smem:$0x3FB3] =	sst s7  }
0x10: {  	[smem:$0x3FB4] =	sst s8  }
0x11: {  	[smem:$0x3FB5] =	sst s9;
	s0 =	simm.s32 @!p0 $0x0  }
0x12: {  	s1 =	sld [smem:$0x3F9B];
	s0 =	simm.s32 @p0 $0x1  }
0x13: {  	[smem:$0x3FB6] =	sst s0;
	s0 =	simm.s32 @!p1 $0x0  }
0x14: {  	s2 =	sld [smem:$0x3F9A];
	s0 =	simm.s32 @p1 $0x1  }
0x15: {  	[smem:$0x3FB7] =	sst s0;
	s0 =	simm.s32 @!p2 $0x0  }
0x16: {  	s3 =	sld [smem:$0x3FDB];
	s0 =	simm.s32 @p2 $0x1  }
0x17: {  	s4 =	simm.s32 $0x1BF5;
	[smem:$0x3FB9] =	sst s0  }
0x18: {  	s0 =	sld [smem:$0x3F9C];
	_ =	swait.ge [sflag:s4], $0x0  }
0x19: {  	s7 =	sld [smem:$0x3F9D]  }
0x1a: {  	s8 =	sadd.s32 $0xFFFFE003, lr  }
0x1b: {  	s9 =	sadd.s32 $0xFFFFFEF7, lr;
	s5 =	simm.s32 $0xFFFFFFFF;
	p2 =	slt.u32 s8, $0xFFFFF086  }
0x1c: {  	p1 =	slt.u32 s9, $0xF7A;
	s5 =	simm.s32 @!p2 $0x0  }
0x1d: {  	s5 =	simm.s32 @p1 $0x1;
	p0 =	seq.s32 s7, s2  }
0x1e: {  	s7 =	smul.u32 @!p0 $0xF7A, s2;
	p2 =	seq.s32 @!p0 s5, $0x0  }
0x1f: {  	s9 =	smul.u32 $0xF7A, s1;
	s8 =	simm.s32 @!p0 $0x1BF5;
	p2 =	por !p2, p0  }
0x20: {  	[sflag:s8] =	ssyncset.s32 @!p0 $0xFFFFF086;
	s6 =	sadd.s32 @!p0 s3, s7;
	s7 =	simm.s32 @!p0 $0x108  }
0x21: {  	s3 =	sadd.s32 s3, s9;
	s6 =	sadd.s32 @!p0 $0x88, s6;
	s7 =	simm.s32 @p2 $0x1082  }
0x22: {  	[simem:s7], [sflag:s8] =	dma.local @!p0 [hbm:s6], $0xF7A  }
0x23: {  	s9 =	sor.u32 $0xD0000000, s2;
	s6 =	simm.s32 $0x108;
	_ =	swait.ge @!p0 [sflag:s8], $0x0  }
0x24: {  	s3 =	sadd.s32 $0x88, s3;
	s6 =	simm.s32 @!p1 $0x1082;
	[sflag:s4] =	ssyncset.s32 $0xFFFFF086  }
0x25: {  	[simem:s6], [sflag:s4] =	dma.local [hbm:s3], $0xF7A  }
0x26: {  	[smem:$0x3F9D] =	sst s1;
	(tag) =	ssettag s2;
	_ =	strace s9  }
0x27: {  	s1 =	sld [smem:$0x3FAD]  }
0x28: {  	s2 =	sld [smem:$0x3FAE]  }
0x29: {  	s4 =	sld [smem:$0x3FB0]  }
0x2a: {  	p0 =	seq.s32 s5, $0x0;
	s5 =	sld [smem:$0x3FB1]  }
0x2b: {  	s6 =	sld [smem:$0x3FB2]  }
0x2c: {  	s7 =	sld [smem:$0x3FB3]  }
0x2d: {  	s3 =	simm.s32 $0x108;
	s8 =	sld [smem:$0x3FB4]  }
0x2e: {  	s3 =	simm.s32 @!p0 $0x1082;
	s9 =	sld [smem:$0x3FB5]  }
0x2f: {  	lr =	sadd.s32 s0, s3;
	s0 =	sld [smem:$0x3FAC]  }
0x30: {  	s3 =	sld [smem:$0x3FAF]  }
0x31: {  	[smem:$0x3FB8] =	sst s10  }
0x32: {  	s10 =	sld [smem:$0x3FB6];
	_ =	sdelay $0x3  }
0x33: {  	p0 =	seq.s32 s10, $0x1;
	s10 =	sld [smem:$0x3FB8];
	_ =	sdelay $0x3  }
0x34: {  	[smem:$0x3FB8] =	sst s10  }
0x35: {  	s10 =	sld [smem:$0x3FB7];
	_ =	sdelay $0x3  }
0x36: {  	p1 =	seq.s32 s10, $0x1;
	s10 =	sld [smem:$0x3FB8];
	_ =	sdelay $0x3  }
0x37: {  	[smem:$0x3FB8] =	sst s10  }
0x38: {  	s10 =	sld [smem:$0x3FB9]  }
0x39: {  	_ = 	snop;
	(pc) =	sbr.ind lr, $3  }
0x3a: {  	_ = 	snop  }
0x3b: {  	_ = 	snop  }
0x3c: {  	p2 =	seq.s32 s10, $0x1;
	s10 =	sld [smem:$0x3FB8]  }
0x3d: {  	_ =	shalt  }
0x3e: {  	_ =	shalt  }
0x3f: {  	_ =	shalt  }
0x40: {  	_ =	shalt  }
0x41: {  	_ =	shalt  }
0x42: {  	_ =	shalt  }
0x43: {  	_ =	shalt  }
0x44: {  	_ =	shalt  }
0x45: {  	_ =	shalt  }
0x46: {  	_ =	shalt  }
0x47: {  	_ =	shalt  }
0x48: {  	_ =	shalt  }
0x49: {  	_ =	shalt  }
0x4a: {  	_ =	shalt  }
0x4b: {  	_ =	shalt  }
0x4c: {  	_ =	shalt  }
0x4d: {  	_ =	shalt  }
0x4e: {  	_ =	shalt  }
0x4f: {  	_ =	shalt  }
0x50: {  	_ =	shalt  }
0x51: {  	_ =	shalt  }
0x52: {  	_ =	shalt  }
0x53: {  	_ =	shalt  }
0x54: {  	_ =	shalt  }
0x55: {  	_ =	shalt  }
0x56: {  	_ =	shalt  }
0x57: {  	_ =	shalt  }
0x58: {  	_ =	shalt  }
0x59: {  	_ =	shalt  }
0x5a: {  	_ =	shalt  }
0x5b: {  	_ =	shalt  }
0x5c: {  	_ =	shalt  }
0x5d: {  	_ =	shalt  }
0x5e: {  	_ =	shalt  }
0x5f: {  	_ =	shalt  }
0x60: {  	_ =	shalt  }
0x61: {  	_ =	shalt  }
0x62: {  	_ =	shalt  }
0x63: {  	_ =	shalt  }
0x64: {  	_ =	shalt  }
0x65: {  	_ =	shalt  }
0x66: {  	_ =	shalt  }
0x67: {  	_ =	shalt  }
0x68: {  	_ =	shalt  }
0x69: {  	_ =	shalt  }
0x6a: {  	_ =	shalt  }
0x6b: {  	_ =	shalt  }
0x6c: {  	_ =	shalt  }
0x6d: {  	_ =	shalt  }
0x6e: {  	_ =	shalt  }
0x6f: {  	_ =	shalt  }
0x70: {  	_ =	shalt  }
0x71: {  	_ =	shalt  }
0x72: {  	_ =	shalt  }
0x73: {  	_ =	shalt  }
0x74: {  	_ =	shalt  }
0x75: {  	_ =	shalt  }
0x76: {  	_ =	shalt  }
0x77: {  	_ =	shalt  }
0x78: {  	_ =	shalt  }
0x79: {  	_ =	shalt  }
0x7a: {  	_ =	shalt  }
0x7b: {  	_ =	shalt  }
0x7c: {  	_ =	shalt  }
0x7d: {  	_ =	shalt  }
0x7e: {  	_ =	shalt  }
0x7f: {  	_ =	shalt  }
0x80: {  	_ =	shalt  }
0x81: {  	_ =	shalt  }
0x82: {  	_ =	shalt  }
0x83: {  	_ =	shalt  }
0x84: {  	_ =	shalt  }
0x85: {  	_ =	shalt  }
0x86: {  	_ =	shalt  }
0x87: {  	_ =	shalt  }
.Lfunc_end0:
.L_simem_size_0:
called_computation_lowered:
.L_overlay_start_0:
0x88: {  	s2 =	sld [smem:$0x3FD9]  }
0x89: {  	s3 =	sld [smem:$0x3FFE];
	_ =	sdelay $0x1  }
0x8a: {  	s1 =	srdreg.scid  }
0x8b: {  	s0 =	sand.u32 $0x1, s1  }
0x8c: {  	s17 =	sshll.u32 s0, $0xA;
	s2 =	sadd.s32 s3, s2  }
0x8d: {  	s2 =	sadd.s32 s2, s17  }
0x8e: {  	[smem:$0x3FC4] =	sst s2  }
0x8f: {  	_ = 	snop  }
0x90: {  	s2 =	sld [smem:$0x3FC9]  }
0x91: {  	s18 =	sld [smem:$0x3FC8]  }
0x92: {  	s4 =	sld [smem:$0x3FD0];
	(tm) =	ssettm $0x1  }
0x93: {  	s5 =	sld [smem:$0x3FFB];
	_ =	sdelay $0x3  }
0x94: {  	_ =	strace s5  }
0x95: {  	s5 =	sld [smem:$0x3FFC];
	_ =	sdelay $0x3  }
0x96: {  	_ =	strace s5  }
0x97: {  	s5 =	sld [smem:$0x3FFD];
	_ =	sdelay $0x3  }
0x98: {  	_ =	strace s5  }
0x99: {  	_ =	strace $0x8FFFFFFF  }
0x9a: {  	s19 =	sld [smem:$0x3FDB];
	_ =	sdelay $0x1  }
0x9b: {  	s6 =	simm.s32 $_scs_section_size  }
0x9c: {  	s7 =	simm.s32 $_size__tile_overlayer_lowered;
	s8 =	simm.s32 $_tile_overlayer_lowered  }
0x9d: {  	s22 =	simm.s32 $0x1BFF;
	s21 =	sshll.u32 s8, $0x1;
	s5 =	sadd.s32 s6, s19  }
0x9e: {  	s9 =	simm.s32 $0x0;
	s20 =	sshll.u32 s7, $0x1;
	s7 =	sadd.s32 s21, s5  }
0x9f: {  	[timem:s9], [sflag:s22] =	dma.local [hbm:s7], s20  }
0xa0: {  	_ =	swait.ge [sflag:s22], s20  }
0xa1: {  	s6 =	ssub.s32 $0x0, s20;
	[sflag:s22] =	ssyncset.done $0x0  }
0xa2: {  	[sflag:s22] =	ssyncadd.s32 s6;
	_ =	sdelay $0x1  }
0xa3: {  	s23 =	simm.s32 $0x1B8B  }
0xa4: {  	_ =	swait.ge [sflag:s23], $0x1  }
0xa5: {  	[sflag:s23] =	ssyncset.done $0x0  }
0xa6: {  	s25 =	simm.s32 $0x1B8E;
	s24 =	sld [smem:$0x3FFE];
	[sflag:s23] =	ssyncadd.s32 $0xFFFFFFFF  }
0xa7: {  	s26 =	simm.s32 $execute0_lowered;
	[smem:$0x3FD2] =	sst s25  }
0xa8: {  	s7 =	sshll.u32 s26, $0x1;
	_ =	strace $0x80000046;
	[dreg:$0x1] =	wrdreg $0xFFFFFFFF  }
0xa9: {  	s28 =	simm.s32 $_size_execute0_lowered;
	s5 =	sadd.s32 s5, s7;
	[dreg:$0x0] =	wrdreg $0x0  }
0xaa: {  	s7 =	sshll.u32 s28, $0x1;
	[dreg:$0x2] =	wrdreg s5  }
0xab: {  	[dreg:$0x3] =	wrdreg s7  }
0xac: {  	[dreg:$0x4] =	wrdreg $0xC0  }
0xad: {  	_ =	task [dreg:s9], $0x5FFFF  }
0xae: {  	[dreg:$0x1] =	wrdreg $0xFFFFFFFF  }
0xaf: {  	[dreg:$0x0] =	wrdreg $0x60  }
0xb0: {  	[dreg:$0x2] =	wrdreg s2  }
0xb1: {  	[dreg:$0x3] =	wrdreg s18  }
0xb2: {  	[dreg:$0x4] =	wrdreg s24  }
0xb3: {  	[dreg:$0x5] =	wrdreg s4  }
0xb4: {  	[dreg:$0x6] =	wrdreg $0x9  }
0xb5: {  	_ =	task.clear_ibuf [dreg:s9], $0x7FFFF;
	_ =	strace $0x90000046  }
0xb6: {  	s29 =	simm.s32 $0x9;
	_ =	strace $0x80000048  }
0xb7: {  	_ =	swait.ge [sflag:s29], $0x1  }
0xb8: {  	[sflag:s29] =	ssyncadd.s32 $0xFFFFFFFF  }
0xb9: {  	_ =	strace $0x90000048  }
0xba: {  	_ =	sfence  }
0xbb: {  	s30 =	sld [smem:$0x0];
	_ =	sdelay $0x2  }
0xbc: {  	s31 =	sshll.u32 s1, $0xD;
	s1 =	sshrl.u32 s1, $0x2  }
0xbd: {  	s3 =	sand.u32 $0x4000, s31;
	s1 =	sadd.s32 s1, s30  }
0xbe: {  	s0 =	sor.u32 s3, s0;
	s1 =	sshll.u32 s1, $0x11  }
0xbf: {  	s0 =	sor.u32 s1, s0  }
0xc0: {  	s0 =	sadd.s32 $0x8F2B, s0  }
0xc1: {  	[sflag:s0] =	ssyncadd.remote.s32 $0x1  }
0xc2: {  	_ =	sfence.sel $0xFFFF  }
0xc3: {  	[dreg:$0x0] =	wrdreg $0xFFFFFFFF;
	(pc) =	sbr.abs _section_cstart, $3  }
0xc4: {  	[dreg:$0x1] =	wrdreg $0xFFFFFFFF  }
0xc5: {  	_ =	task.clear_ibuf [dreg:s9], $0x2FFFF;
	_ =	strace $0x9FFFFFFF  }
0xc6: {  	(tm) =	ssettm $0x7FFFFFFF  }
0xc7: {  	_ =	shalt  }
tec
execute0_lowered:
.L_overlay_start_1:
0x0: {  	(tag) =	ssettag $0x1  }
0x1: {  	s0 =	rddreg [dreg:$0x0]  }
0x2: {  	s1 =	rddreg [dreg:$0x1]  }
0x3: {  	s3 =	rddreg [dreg:$0x2]  }
0x4: {  	s2 =	srdreg.scid;
	s5 =	stileid.u32  }
0x5: {  	s19 =	rddreg [dreg:$0x3];
	s21 =	simm.s32 $0x9E00;
	s22 =	simm.s32 $0x9E80  }
0x6: {  	s23 =	simm.s32 $0x4F00;
	s24 =	simm.s32 $0x2;
	s28 =	simm.s32 $0x1  }
0x7: {  	s29 =	simm.s32 $0x3;
	s30 =	simm.s32 $0x4;
	s31 =	simm.s32 $0x0  }
0x8: {  	s4 =	sand.u32 $0x1, s2;
	s5 =	sshll.u32 s5, $0x1;
	s2 =	simm.s32 $0x0  }
0x9: {  	s25 =	sadd.s32 $0x400, s3;
	s5 =	sor.u32 s4, s5;
	[smem:$0x7FF] =	sst s2  }
0xa: {  	s6 =	ssub.s32 $0x2, s4;
	s4 =	sadd.s32 $0x600, s3;
	s5 =	smul.u32 $0xC350, s5  }
0xb: {  	_ =	strace $0x80000047;
	[dreg:$0x5] =	wrdreg s25;
	s7 =	sshrl.u32 s6, $0x1  }
0xc: {  	s25 =	simm.s32 $0x2780;
	s26 =	ssub.s32 s6, s7;
	s16 =	sshrl.u32 s5, $0x3  }
0xd: {  	s5 =	sadd.s32 s0, s16;
	s6 =	sadd.s32 s1, s16;
	s12 =	sadd.s32 $0x4E2, s16  }
0xe: {  	s15 =	sadd.s32 $0x9C4, s16;
	s9 =	sadd.s32 s19, s16;
	s18 =	sadd.s32 $0xEA6, s16  }
0xf: {  	s20 =	sadd.s32 $0x1388, s16;
	s7 =	sadd.s32 s0, s12;
	s8 =	sadd.s32 s1, s12  }
0x10: {  	s10 =	sadd.s32 s0, s15;
	s11 =	sadd.s32 s1, s15;
	s12 =	sadd.s32 s19, s12  }
0x11: {  	s13 =	sadd.s32 s0, s18;
	s14 =	sadd.s32 s1, s18;
	s15 =	sadd.s32 s19, s15  }
0x12: {  	s16 =	sadd.s32 s0, s20;
	s17 =	sadd.s32 s1, s20;
	s18 =	sadd.s32 s19, s18  }
0x13: {  	s19 =	sadd.s32 s19, s20;
	s20 =	smax.u32 s26, $0x1;
	s26 =	simm.s32 $0x7680  }
.LBB2_1:
0x14: {  	s0 =	rddreg [dreg:$0x5]  }
0x15: {  	[tilespmem:s21], [sflag:$0x2] =	stream.linear.gather [hbm4b:s0+s2], $0x80, $0x38;
	[tilespmem:$0x9F00] =	vst v63  }
0x16: {  	_ = 	snop  }
0x17: {  	[tilespmem:s22], [sflag:$0x2] =	stream.linear.gather [hbm4b:s4+s2], $0x80, $0x38;
	[tilespmem:$0x9F00] =	vst v63  }
0x18: {  	_ = 	snop  }
0x19: {  	[tilespmem:s2], [sflag:$0x1] =	stream.linear.gather [hbm4b:s5+s2], $0x2710, $0x38;
	[tilespmem:$0x9F00] =	vst v63  }
0x1a: {  	_ = 	snop  }
0x1b: {  	[tilespmem:s23], [sflag:$0x1] =	stream.linear.gather [hbm4b:s6+s2], $0x2710, $0x38;
	[tilespmem:$0x9F00] =	vst v63  }
0x1c: {  	_ =	swait.ge [sflag:s24], $0x80  }
0x1d: {  	[sflag:s24] =	ssyncset.done $0x0  }
0x1e: {  	[sflag:s24] =	ssyncadd.s32 $0xFFFFFF80  }
0x1f: {  	_ =	swait.ge [sflag:s24], $0x80  }
0x20: {  	[sflag:s24] =	ssyncset.done $0x0  }
0x21: {  	[sflag:s24] =	ssyncadd.s32 $0xFFFFFF80  }
0x22: {  	[tilespmem:s25], [sflag:$0x2] =	stream.linear.gather [hbm4b:s7+s2], $0x2710, $0x38;
	[tilespmem:$0x9F00] =	vst v63  }
0x23: {  	_ = 	snop  }
0x24: {  	[tilespmem:s26], [sflag:$0x2] =	stream.linear.gather [hbm4b:s8+s2], $0x2710, $0x38;
	[tilespmem:$0x9F00] =	vst v63  }
0x25: {  	_ =	swait.ge [sflag:s28], $0x2710  }
0x26: {  	[sflag:s28] =	ssyncset.done $0x0  }
0x27: {  	[sflag:s28] =	ssyncadd.s32 $0xFFFFD8F0  }
0x28: {  	_ =	swait.ge [sflag:s28], $0x2710  }
0x29: {  	[sflag:s28] =	ssyncset.done $0x0  }
0x2a: {  	s3 =	simm.s32 $0x4F40;
	[sflag:s28] =	ssyncadd.s32 $0xFFFFD8F0  }
0x2b: {  	v0 =	vld [tilespmem:s3+$0x30]  }
0x2c: {  	v1 =	vld [tilespmem:s3+$0xFFFFFFD0]  }
0x2d: {  	v2 =	vld [tilespmem:s3+$0xFFFFFFE0]  }
0x2e: {  	v4 =	vld [tilespmem:s3+$0xFFFFFFF0]  }
0x2f: {  	v6 =	vld [tilespmem:s3+$0x0]  }
0x30: {  	v8 =	vld [tilespmem:s3+$0x10]  }
0x31: {  	v11 =	vld [tilespmem:s3+$0x20]  }
0x32: {  	s1 =	simm.s32 $0x40;
	v3 =	vld [tilespmem:s3+$0xFFFFFFC0]  }
0x33: {  	v7 =	vld [tilespmem:s1+$0x30]  }
0x34: {  	v18 =	vld [tilespmem:s1+$0xFFFFFFC0]  }
0x35: {  	v19 =	vld [tilespmem:s1+$0xFFFFFFD0]  }
0x36: {  	v20 =	vld [tilespmem:s1+$0xFFFFFFE0]  }
0x37: {  	v21 =	vld [tilespmem:s1+$0xFFFFFFF0]  }
0x38: {  	v22 =	vld [tilespmem:s1+$0x0]  }
0x39: {  	v23 =	vld [tilespmem:s1+$0x10]  }
0x3a: {  	v24 =	vld [tilespmem:s1+$0x20]  }
0x3b: {  	v5 =	vld.idx.msk [tilespmem:v0+s21+$0x0], $0xffff  }
0x3c: {  	v0 =	vld.idx.msk [tilespmem:v0+s22+$0x0], $0xffff  }
0x3d: {  	v9 =	vld.idx.msk [tilespmem:v1+s21+$0x0], $0xffff  }
0x3e: {  	v12 =	vld.idx.msk [tilespmem:v2+s21+$0x0], $0xffff  }
0x3f: {  	v13 =	vld.idx.msk [tilespmem:v4+s21+$0x0], $0xffff  }
0x40: {  	v14 =	vld.idx.msk [tilespmem:v6+s21+$0x0], $0xffff  }
0x41: {  	v15 =	vld.idx.msk [tilespmem:v3+s21+$0x0], $0xffff  }
0x42: {  	v16 =	vld.idx.msk [tilespmem:v8+s21+$0x0], $0xffff  }
0x43: {  	v17 =	vld.idx.msk [tilespmem:v11+s21+$0x0], $0xffff  }
0x44: {  	v25 =	vld.idx.msk [tilespmem:v3+s22+$0x0], $0xffff  }
0x45: {  	v10 =	vld.idx.msk [tilespmem:v1+s22+$0x0], $0xffff  }
0x46: {  	v3 =	vld.idx.msk [tilespmem:v2+s22+$0x0], $0xffff  }
0x47: {  	v8 =	vld.idx.msk [tilespmem:v8+s22+$0x0], $0xffff;
	v5 =	vmul.f32 v7, v5  }
0x48: {  	v15 =	vmul.f32 v18, v15;
	v7 =	vld.idx.msk [tilespmem:v6+s22+$0x0], $0xffff  }
0x49: {  	v9 =	vmul.f32 v19, v9;
	v6 =	vmul.f32 v21, v13;
	v0 =	vadd.f32 v5, v0;
	v5 =	vld.idx.msk [tilespmem:v4+s22+$0x0], $0xffff  }
0x4a: {  	v11 =	vld.idx.msk [tilespmem:v11+s22+$0x0], $0xffff;
	v1 =	vmul.f32 v22, v14;
	v2 =	vmul.f32 v23, v16  }
0x4b: {  	s0 =	simm.s32 $0x0;
	s3 =	simm.s32 $0x4FC0;
	v4 =	vmul.f32 v20, v12;
	v12 =	vadd.f32 v15, v25;
	[tilespmem:s1+$0x30] =	vst v0;
	v0 =	vmul.f32 v24, v17  }
.LBB2_2:
0x4c: {  	v13 =	vld [tilespmem:s3+$0x30];
	s0 =	sadd.s32 $0x8, s0;
	v9 =	vadd.f32 v9, v10  }
0x4d: {  	v3 =	vadd.f32 v4, v3;
	v10 =	vld [tilespmem:s3+$0xFFFFFFD0];
	p0 =	slt.u32 s0, $0x268;
	[tilespmem:s1+$0xFFFFFFC0] =	vst v12  }
0x4e: {  	v4 =	vadd.f32 v6, v5;
	v12 =	vld [tilespmem:s3+$0xFFFFFFE0];
	[tilespmem:s1+$0xFFFFFFD0] =	vst v9  }
0x4f: {  	v1 =	vadd.f32 v1, v7;
	v5 =	vld [tilespmem:s3+$0xFFFFFFF0];
	[tilespmem:s1+$0xFFFFFFE0] =	vst v3  }
0x50: {  	v2 =	vadd.f32 v2, v8;
	v7 =	vld [tilespmem:s3+$0x0];
	[tilespmem:s1+$0xFFFFFFF0] =	vst v4  }
0x51: {  	v0 =	vadd.f32 v0, v11;
	v8 =	vld [tilespmem:s3+$0x10];
	[tilespmem:s1+$0x0] =	vst v1  }
0x52: {  	v11 =	vld [tilespmem:s3+$0x20];
	[tilespmem:s1+$0x10] =	vst v2  }
0x53: {  	v1 =	vld [tilespmem:s3+$0xFFFFFFC0];
	[tilespmem:s1+$0x20] =	vst v0  }
0x54: {  	s1 =	sadd.s32 $0x80, s1;
	v0 =	vld.idx.msk [tilespmem:v13+s21+$0x0], $0xffff  }
0x55: {  	v2 =	vld [tilespmem:s1+$0x30]  }
0x56: {  	v3 =	vld.idx.msk [tilespmem:v13+s22+$0x0], $0xffff  }
0x57: {  	v4 =	vld.idx.msk [tilespmem:v10+s21+$0x0], $0xffff  }
0x58: {  	v6 =	vld.idx.msk [tilespmem:v12+s21+$0x0], $0xffff  }
0x59: {  	v13 =	vld.idx.msk [tilespmem:v5+s21+$0x0], $0xffff  }
0x5a: {  	v14 =	vld.idx.msk [tilespmem:v7+s21+$0x0], $0xffff;
	v0 =	vmul.f32 v2, v0  }
0x5b: {  	v2 =	vld.idx.msk [tilespmem:v1+s21+$0x0], $0xffff  }
0x5c: {  	v15 =	vld.idx.msk [tilespmem:v8+s21+$0x0], $0xffff;
	v0 =	vadd.f32 v0, v3  }
0x5d: {  	v16 =	vld.idx.msk [tilespmem:v11+s21+$0x0], $0xffff  }
0x5e: {  	v3 =	vld [tilespmem:s1+$0xFFFFFFC0];
	[tilespmem:s1+$0x30] =	vst v0  }
0x5f: {  	v0 =	vld [tilespmem:s1+$0xFFFFFFD0]  }
0x60: {  	v17 =	vld [tilespmem:s1+$0xFFFFFFE0]  }
0x61: {  	v18 =	vld [tilespmem:s1+$0xFFFFFFF0]  }
0x62: {  	v19 =	vld [tilespmem:s1+$0x0]  }
0x63: {  	v20 =	vmul.f32 v3, v2;
	v2 =	vld [tilespmem:s1+$0x10]  }
0x64: {  	v9 =	vmul.f32 v0, v4;
	v0 =	vld [tilespmem:s1+$0x20]  }
0x65: {  	v21 =	vld.idx.msk [tilespmem:v1+s22+$0x0], $0xffff;
	v4 =	vmul.f32 v17, v6  }
0x66: {  	v10 =	vld.idx.msk [tilespmem:v10+s22+$0x0], $0xffff;
	v6 =	vmul.f32 v18, v13  }
.Ltmp0:
0x67: {  	v3 =	vld.idx.msk [tilespmem:v12+s22+$0x0], $0xffff;
	v1 =	vmul.f32 v19, v14;
	(pc) =	sbr.rel @p0 .LBB2_2-.Ltmp0, $4  }
0x68: {  	v5 =	vld.idx.msk [tilespmem:v5+s22+$0x0], $0xffff;
	v2 =	vmul.f32 v2, v15  }
0x69: {  	v7 =	vld.idx.msk [tilespmem:v7+s22+$0x0], $0xffff;
	v0 =	vmul.f32 v0, v16  }
0x6a: {  	v8 =	vld.idx.msk [tilespmem:v8+s22+$0x0], $0xffff  }
0x6b: {  	s3 =	sadd.s32 $0x80, s3;
	v12 =	vadd.f32 v20, v21;
	v11 =	vld.idx.msk [tilespmem:v11+s22+$0x0], $0xffff  }
0x6c: {  	v9 =	vadd.f32 v9, v10  }
0x6d: {  	v3 =	vadd.f32 v4, v3;
	[tilespmem:s1+$0xFFFFFFC0] =	vst v12  }
0x6e: {  	v4 =	vadd.f32 v6, v5;
	[tilespmem:s1+$0xFFFFFFD0] =	vst v9  }
0x6f: {  	[tilespmem:s1+$0xFFFFFFE0] =	vst v3;
	v1 =	vadd.f32 v1, v7  }
0x70: {  	[tilespmem:s1+$0xFFFFFFF0] =	vst v4;
	v2 =	vadd.f32 v2, v8  }
0x71: {  	[tilespmem:s1+$0x0] =	vst v1;
	v0 =	vadd.f32 v0, v11  }
0x72: {  	[tilespmem:s1+$0x10] =	vst v2  }
0x73: {  	[tilespmem:s1+$0x20] =	vst v0  }
0x74: {  	v0 =	vld [tilespmem:$0x7600];
	_ =	sdelay $0x6  }
0x75: {  	v2 =	vld [tilespmem:$0x2700]  }
0x76: {  	v1 =	vld.idx.msk [tilespmem:v0+s21+$0x0], $0xffff;
	_ =	sdelay $0x1  }
0x77: {  	v0 =	vld.idx.msk [tilespmem:v0+s22+$0x0], $0xffff;
	_ =	sdelay $0x2  }
0x78: {  	v1 =	vmul.f32 v2, v1;
	_ =	sdelay $0x1  }
0x79: {  	v0 =	vadd.f32 v1, v0;
	_ =	sdelay $0x1  }
0x7a: {  	[tilespmem:$0x2700] =	vst v0  }
0x7b: {  	[hbm4b:s9+s2] =	stream.linear.scatter [tilespmem:s2], [sflag:$0x3], $0x2710, $0x38;
	[tilespmem:$0x9F00] =	vst v63  }
0x7c: {  	_ =	swait.ge [sflag:s29], $0x2710  }
0x7d: {  	[sflag:s29] =	ssyncset.done $0x0  }
0x7e: {  	[sflag:s29] =	ssyncadd.s32 $0xFFFFD8F0  }
0x7f: {  	[tilespmem:s2], [sflag:$0x1] =	stream.linear.gather [hbm4b:s10+s2], $0x2710, $0x38;
	[tilespmem:$0x9F00] =	vst v63  }
0x80: {  	_ = 	snop  }
0x81: {  	[tilespmem:s23], [sflag:$0x1] =	stream.linear.gather [hbm4b:s11+s2], $0x2710, $0x38;
	[tilespmem:$0x9F00] =	vst v63  }
0x82: {  	_ =	swait.ge [sflag:s24], $0x2710  }
0x83: {  	[sflag:s24] =	ssyncset.done $0x0  }
0x84: {  	[sflag:s24] =	ssyncadd.s32 $0xFFFFD8F0  }
0x85: {  	_ =	swait.ge [sflag:s24], $0x2710  }
0x86: {  	[sflag:s24] =	ssyncset.done $0x0  }
0x87: {  	s0 =	simm.s32 $0x76C0;
	[sflag:s24] =	ssyncadd.s32 $0xFFFFD8F0  }
0x88: {  	v0 =	vld [tilespmem:s0+$0x30]  }
0x89: {  	v1 =	vld [tilespmem:s0+$0xFFFFFFD0]  }
0x8a: {  	v2 =	vld [tilespmem:s0+$0xFFFFFFE0]  }
0x8b: {  	v4 =	vld [tilespmem:s0+$0xFFFFFFF0]  }
0x8c: {  	v6 =	vld [tilespmem:s0+$0x0]  }
0x8d: {  	v8 =	vld [tilespmem:s0+$0x10]  }
0x8e: {  	v11 =	vld [tilespmem:s0+$0x20]  }
0x8f: {  	s1 =	simm.s32 $0x27C0;
	v3 =	vld [tilespmem:s0+$0xFFFFFFC0]  }
0x90: {  	v7 =	vld [tilespmem:s1+$0x30]  }
0x91: {  	v18 =	vld [tilespmem:s1+$0xFFFFFFC0]  }
0x92: {  	v19 =	vld [tilespmem:s1+$0xFFFFFFD0]  }
0x93: {  	v20 =	vld [tilespmem:s1+$0xFFFFFFE0]  }
0x94: {  	v21 =	vld [tilespmem:s1+$0xFFFFFFF0]  }
0x95: {  	v22 =	vld [tilespmem:s1+$0x0]  }
0x96: {  	v23 =	vld [tilespmem:s1+$0x10]  }
0x97: {  	v24 =	vld [tilespmem:s1+$0x20]  }
0x98: {  	v5 =	vld.idx.msk [tilespmem:v0+s21+$0x0], $0xffff  }
0x99: {  	v0 =	vld.idx.msk [tilespmem:v0+s22+$0x0], $0xffff  }
0x9a: {  	v9 =	vld.idx.msk [tilespmem:v1+s21+$0x0], $0xffff  }
0x9b: {  	v12 =	vld.idx.msk [tilespmem:v2+s21+$0x0], $0xffff  }
0x9c: {  	v13 =	vld.idx.msk [tilespmem:v4+s21+$0x0], $0xffff  }
0x9d: {  	v14 =	vld.idx.msk [tilespmem:v6+s21+$0x0], $0xffff  }
0x9e: {  	v15 =	vld.idx.msk [tilespmem:v3+s21+$0x0], $0xffff  }
0x9f: {  	v16 =	vld.idx.msk [tilespmem:v8+s21+$0x0], $0xffff  }
0xa0: {  	v17 =	vld.idx.msk [tilespmem:v11+s21+$0x0], $0xffff  }
0xa1: {  	v25 =	vld.idx.msk [tilespmem:v3+s22+$0x0], $0xffff  }
0xa2: {  	v10 =	vld.idx.msk [tilespmem:v1+s22+$0x0], $0xffff  }
0xa3: {  	v3 =	vld.idx.msk [tilespmem:v2+s22+$0x0], $0xffff  }
0xa4: {  	v8 =	vld.idx.msk [tilespmem:v8+s22+$0x0], $0xffff;
	v5 =	vmul.f32 v7, v5  }
0xa5: {  	v15 =	vmul.f32 v18, v15;
	v7 =	vld.idx.msk [tilespmem:v6+s22+$0x0], $0xffff  }
0xa6: {  	v9 =	vmul.f32 v19, v9;
	v6 =	vmul.f32 v21, v13;
	v0 =	vadd.f32 v5, v0;
	v5 =	vld.idx.msk [tilespmem:v4+s22+$0x0], $0xffff  }
0xa7: {  	v11 =	vld.idx.msk [tilespmem:v11+s22+$0x0], $0xffff;
	v1 =	vmul.f32 v22, v14;
	v2 =	vmul.f32 v23, v16  }
0xa8: {  	s3 =	simm.s32 $0x7740;
	s0 =	simm.s32 $0x0;
	v4 =	vmul.f32 v20, v12;
	v12 =	vadd.f32 v15, v25;
	[tilespmem:s1+$0x30] =	vst v0;
	v0 =	vmul.f32 v24, v17  }
.LBB2_4:
0xa9: {  	v13 =	vld [tilespmem:s3+$0x30];
	s0 =	sadd.s32 $0x8, s0;
	v9 =	vadd.f32 v9, v10  }
0xaa: {  	v3 =	vadd.f32 v4, v3;
	v10 =	vld [tilespmem:s3+$0xFFFFFFD0];
	p0 =	slt.u32 s0, $0x268;
	[tilespmem:s1+$0xFFFFFFC0] =	vst v12  }
0xab: {  	v4 =	vadd.f32 v6, v5;
	v12 =	vld [tilespmem:s3+$0xFFFFFFE0];
	[tilespmem:s1+$0xFFFFFFD0] =	vst v9  }
0xac: {  	v1 =	vadd.f32 v1, v7;
	v5 =	vld [tilespmem:s3+$0xFFFFFFF0];
	[tilespmem:s1+$0xFFFFFFE0] =	vst v3  }
0xad: {  	v2 =	vadd.f32 v2, v8;
	v7 =	vld [tilespmem:s3+$0x0];
	[tilespmem:s1+$0xFFFFFFF0] =	vst v4  }
0xae: {  	v0 =	vadd.f32 v0, v11;
	v8 =	vld [tilespmem:s3+$0x10];
	[tilespmem:s1+$0x0] =	vst v1  }
0xaf: {  	v11 =	vld [tilespmem:s3+$0x20];
	[tilespmem:s1+$0x10] =	vst v2  }
0xb0: {  	v1 =	vld [tilespmem:s3+$0xFFFFFFC0];
	[tilespmem:s1+$0x20] =	vst v0  }
0xb1: {  	s1 =	sadd.s32 $0x80, s1;
	v0 =	vld.idx.msk [tilespmem:v13+s21+$0x0], $0xffff  }
0xb2: {  	v2 =	vld [tilespmem:s1+$0x30]  }
0xb3: {  	v3 =	vld.idx.msk [tilespmem:v13+s22+$0x0], $0xffff  }
0xb4: {  	v4 =	vld.idx.msk [tilespmem:v10+s21+$0x0], $0xffff  }
0xb5: {  	v6 =	vld.idx.msk [tilespmem:v12+s21+$0x0], $0xffff  }
0xb6: {  	v13 =	vld.idx.msk [tilespmem:v5+s21+$0x0], $0xffff  }
0xb7: {  	v14 =	vld.idx.msk [tilespmem:v7+s21+$0x0], $0xffff;
	v0 =	vmul.f32 v2, v0  }
0xb8: {  	v2 =	vld.idx.msk [tilespmem:v1+s21+$0x0], $0xffff  }
0xb9: {  	v15 =	vld.idx.msk [tilespmem:v8+s21+$0x0], $0xffff;
	v0 =	vadd.f32 v0, v3  }
0xba: {  	v16 =	vld.idx.msk [tilespmem:v11+s21+$0x0], $0xffff  }
0xbb: {  	v3 =	vld [tilespmem:s1+$0xFFFFFFC0];
	[tilespmem:s1+$0x30] =	vst v0  }
0xbc: {  	v0 =	vld [tilespmem:s1+$0xFFFFFFD0]  }
0xbd: {  	v17 =	vld [tilespmem:s1+$0xFFFFFFE0]  }
0xbe: {  	v18 =	vld [tilespmem:s1+$0xFFFFFFF0]  }
0xbf: {  	v19 =	vld [tilespmem:s1+$0x0]  }
0xc0: {  	v20 =	vmul.f32 v3, v2;
	v2 =	vld [tilespmem:s1+$0x10]  }
0xc1: {  	v9 =	vmul.f32 v0, v4;
	v0 =	vld [tilespmem:s1+$0x20]  }
0xc2: {  	v21 =	vld.idx.msk [tilespmem:v1+s22+$0x0], $0xffff;
	v4 =	vmul.f32 v17, v6  }
0xc3: {  	v10 =	vld.idx.msk [tilespmem:v10+s22+$0x0], $0xffff;
	v6 =	vmul.f32 v18, v13  }
.Ltmp1:
0xc4: {  	v3 =	vld.idx.msk [tilespmem:v12+s22+$0x0], $0xffff;
	v1 =	vmul.f32 v19, v14;
	(pc) =	sbr.rel @p0 .LBB2_4-.Ltmp1, $4  }
0xc5: {  	v5 =	vld.idx.msk [tilespmem:v5+s22+$0x0], $0xffff;
	v2 =	vmul.f32 v2, v15  }
0xc6: {  	v7 =	vld.idx.msk [tilespmem:v7+s22+$0x0], $0xffff;
	v0 =	vmul.f32 v0, v16  }
0xc7: {  	v8 =	vld.idx.msk [tilespmem:v8+s22+$0x0], $0xffff  }
0xc8: {  	s3 =	sadd.s32 $0x80, s3;
	v12 =	vadd.f32 v20, v21;
	v11 =	vld.idx.msk [tilespmem:v11+s22+$0x0], $0xffff  }
0xc9: {  	v9 =	vadd.f32 v9, v10  }
0xca: {  	v3 =	vadd.f32 v4, v3;
	[tilespmem:s1+$0xFFFFFFC0] =	vst v12  }
0xcb: {  	v4 =	vadd.f32 v6, v5;
	[tilespmem:s1+$0xFFFFFFD0] =	vst v9  }
0xcc: {  	[tilespmem:s1+$0xFFFFFFE0] =	vst v3;
	v1 =	vadd.f32 v1, v7  }
0xcd: {  	[tilespmem:s1+$0xFFFFFFF0] =	vst v4;
	v2 =	vadd.f32 v2, v8  }
0xce: {  	[tilespmem:s1+$0x0] =	vst v1;
	v0 =	vadd.f32 v0, v11  }
0xcf: {  	[tilespmem:s1+$0x10] =	vst v2  }
0xd0: {  	[tilespmem:s1+$0x20] =	vst v0  }
0xd1: {  	v0 =	vld [tilespmem:$0x9D80];
	_ =	sdelay $0x6  }
0xd2: {  	v2 =	vld [tilespmem:$0x4E80]  }
0xd3: {  	v1 =	vld.idx.msk [tilespmem:v0+s21+$0x0], $0xffff;
	_ =	sdelay $0x1  }
0xd4: {  	v0 =	vld.idx.msk [tilespmem:v0+s22+$0x0], $0xffff;
	_ =	sdelay $0x2  }
0xd5: {  	v1 =	vmul.f32 v2, v1;
	_ =	sdelay $0x1  }
0xd6: {  	v0 =	vadd.f32 v1, v0;
	_ =	sdelay $0x1  }
0xd7: {  	[tilespmem:$0x4E80] =	vst v0  }
0xd8: {  	[hbm4b:s12+s2] =	stream.linear.scatter [tilespmem:s25], [sflag:$0x4], $0x2710, $0x38;
	[tilespmem:$0x9F00] =	vst v63  }
0xd9: {  	_ =	swait.ge [sflag:s30], $0x2710  }
0xda: {  	[sflag:s30] =	ssyncset.done $0x0  }
0xdb: {  	[sflag:s30] =	ssyncadd.s32 $0xFFFFD8F0  }
0xdc: {  	[tilespmem:s25], [sflag:$0x2] =	stream.linear.gather [hbm4b:s13+s2], $0x2710, $0x38;
	[tilespmem:$0x9F00] =	vst v63  }
0xdd: {  	_ = 	snop  }
0xde: {  	[tilespmem:s26], [sflag:$0x2] =	stream.linear.gather [hbm4b:s14+s2], $0x2710, $0x38;
	[tilespmem:$0x9F00] =	vst v63  }
0xdf: {  	_ =	swait.ge [sflag:s28], $0x2710  }
0xe0: {  	[sflag:s28] =	ssyncset.done $0x0  }
0xe1: {  	[sflag:s28] =	ssyncadd.s32 $0xFFFFD8F0  }
0xe2: {  	_ =	swait.ge [sflag:s28], $0x2710  }
0xe3: {  	[sflag:s28] =	ssyncset.done $0x0  }
0xe4: {  	s0 =	simm.s32 $0x4F40;
	[sflag:s28] =	ssyncadd.s32 $0xFFFFD8F0  }
0xe5: {  	v0 =	vld [tilespmem:s0+$0x30]  }
0xe6: {  	v1 =	vld [tilespmem:s0+$0xFFFFFFD0]  }
0xe7: {  	v2 =	vld [tilespmem:s0+$0xFFFFFFE0]  }
0xe8: {  	v4 =	vld [tilespmem:s0+$0xFFFFFFF0]  }
0xe9: {  	v6 =	vld [tilespmem:s0+$0x0]  }
0xea: {  	v8 =	vld [tilespmem:s0+$0x10]  }
0xeb: {  	v11 =	vld [tilespmem:s0+$0x20]  }
0xec: {  	s1 =	simm.s32 $0x40;
	v3 =	vld [tilespmem:s0+$0xFFFFFFC0]  }
0xed: {  	v7 =	vld [tilespmem:s1+$0x30]  }
0xee: {  	v18 =	vld [tilespmem:s1+$0xFFFFFFC0]  }
0xef: {  	v19 =	vld [tilespmem:s1+$0xFFFFFFD0]  }
0xf0: {  	v20 =	vld [tilespmem:s1+$0xFFFFFFE0]  }
0xf1: {  	v21 =	vld [tilespmem:s1+$0xFFFFFFF0]  }
0xf2: {  	v22 =	vld [tilespmem:s1+$0x0]  }
0xf3: {  	v23 =	vld [tilespmem:s1+$0x10]  }
0xf4: {  	v24 =	vld [tilespmem:s1+$0x20]  }
0xf5: {  	v5 =	vld.idx.msk [tilespmem:v0+s21+$0x0], $0xffff  }
0xf6: {  	v0 =	vld.idx.msk [tilespmem:v0+s22+$0x0], $0xffff  }
0xf7: {  	v9 =	vld.idx.msk [tilespmem:v1+s21+$0x0], $0xffff  }
0xf8: {  	v12 =	vld.idx.msk [tilespmem:v2+s21+$0x0], $0xffff  }
0xf9: {  	v13 =	vld.idx.msk [tilespmem:v4+s21+$0x0], $0xffff  }
0xfa: {  	v14 =	vld.idx.msk [tilespmem:v6+s21+$0x0], $0xffff  }
0xfb: {  	v15 =	vld.idx.msk [tilespmem:v3+s21+$0x0], $0xffff  }
0xfc: {  	v16 =	vld.idx.msk [tilespmem:v8+s21+$0x0], $0xffff  }
0xfd: {  	v17 =	vld.idx.msk [tilespmem:v11+s21+$0x0], $0xffff  }
0xfe: {  	v25 =	vld.idx.msk [tilespmem:v3+s22+$0x0], $0xffff  }
0xff: {  	v10 =	vld.idx.msk [tilespmem:v1+s22+$0x0], $0xffff  }
0x100: {  	v3 =	vld.idx.msk [tilespmem:v2+s22+$0x0], $0xffff  }
0x101: {  	v8 =	vld.idx.msk [tilespmem:v8+s22+$0x0], $0xffff;
	v5 =	vmul.f32 v7, v5  }
0x102: {  	v15 =	vmul.f32 v18, v15;
	v7 =	vld.idx.msk [tilespmem:v6+s22+$0x0], $0xffff  }
0x103: {  	v9 =	vmul.f32 v19, v9;
	v6 =	vmul.f32 v21, v13;
	v0 =	vadd.f32 v5, v0;
	v5 =	vld.idx.msk [tilespmem:v4+s22+$0x0], $0xffff  }
0x104: {  	v11 =	vld.idx.msk [tilespmem:v11+s22+$0x0], $0xffff;
	v1 =	vmul.f32 v22, v14;
	v2 =	vmul.f32 v23, v16  }
0x105: {  	s3 =	simm.s32 $0x4FC0;
	s0 =	simm.s32 $0x0;
	v4 =	vmul.f32 v20, v12;
	v12 =	vadd.f32 v15, v25;
	[tilespmem:s1+$0x30] =	vst v0;
	v0 =	vmul.f32 v24, v17  }
.LBB2_6:
0x106: {  	v13 =	vld [tilespmem:s3+$0x30];
	s0 =	sadd.s32 $0x8, s0;
	v9 =	vadd.f32 v9, v10  }
0x107: {  	v3 =	vadd.f32 v4, v3;
	v10 =	vld [tilespmem:s3+$0xFFFFFFD0];
	p0 =	slt.u32 s0, $0x268;
	[tilespmem:s1+$0xFFFFFFC0] =	vst v12  }
0x108: {  	v4 =	vadd.f32 v6, v5;
	v12 =	vld [tilespmem:s3+$0xFFFFFFE0];
	[tilespmem:s1+$0xFFFFFFD0] =	vst v9  }
0x109: {  	v1 =	vadd.f32 v1, v7;
	v5 =	vld [tilespmem:s3+$0xFFFFFFF0];
	[tilespmem:s1+$0xFFFFFFE0] =	vst v3  }
0x10a: {  	v2 =	vadd.f32 v2, v8;
	v7 =	vld [tilespmem:s3+$0x0];
	[tilespmem:s1+$0xFFFFFFF0] =	vst v4  }
0x10b: {  	v0 =	vadd.f32 v0, v11;
	v8 =	vld [tilespmem:s3+$0x10];
	[tilespmem:s1+$0x0] =	vst v1  }
0x10c: {  	v11 =	vld [tilespmem:s3+$0x20];
	[tilespmem:s1+$0x10] =	vst v2  }
0x10d: {  	v1 =	vld [tilespmem:s3+$0xFFFFFFC0];
	[tilespmem:s1+$0x20] =	vst v0  }
0x10e: {  	s1 =	sadd.s32 $0x80, s1;
	v0 =	vld.idx.msk [tilespmem:v13+s21+$0x0], $0xffff  }
0x10f: {  	v2 =	vld [tilespmem:s1+$0x30]  }
0x110: {  	v3 =	vld.idx.msk [tilespmem:v13+s22+$0x0], $0xffff  }
0x111: {  	v4 =	vld.idx.msk [tilespmem:v10+s21+$0x0], $0xffff  }
0x112: {  	v6 =	vld.idx.msk [tilespmem:v12+s21+$0x0], $0xffff  }
0x113: {  	v13 =	vld.idx.msk [tilespmem:v5+s21+$0x0], $0xffff  }
0x114: {  	v14 =	vld.idx.msk [tilespmem:v7+s21+$0x0], $0xffff;
	v0 =	vmul.f32 v2, v0  }
0x115: {  	v2 =	vld.idx.msk [tilespmem:v1+s21+$0x0], $0xffff  }
0x116: {  	v15 =	vld.idx.msk [tilespmem:v8+s21+$0x0], $0xffff;
	v0 =	vadd.f32 v0, v3  }
0x117: {  	v16 =	vld.idx.msk [tilespmem:v11+s21+$0x0], $0xffff  }
0x118: {  	v3 =	vld [tilespmem:s1+$0xFFFFFFC0];
	[tilespmem:s1+$0x30] =	vst v0  }
0x119: {  	v0 =	vld [tilespmem:s1+$0xFFFFFFD0]  }
0x11a: {  	v17 =	vld [tilespmem:s1+$0xFFFFFFE0]  }
0x11b: {  	v18 =	vld [tilespmem:s1+$0xFFFFFFF0]  }
0x11c: {  	v19 =	vld [tilespmem:s1+$0x0]  }
0x11d: {  	v20 =	vmul.f32 v3, v2;
	v2 =	vld [tilespmem:s1+$0x10]  }
0x11e: {  	v9 =	vmul.f32 v0, v4;
	v0 =	vld [tilespmem:s1+$0x20]  }
0x11f: {  	v21 =	vld.idx.msk [tilespmem:v1+s22+$0x0], $0xffff;
	v4 =	vmul.f32 v17, v6  }
0x120: {  	v10 =	vld.idx.msk [tilespmem:v10+s22+$0x0], $0xffff;
	v6 =	vmul.f32 v18, v13  }
.Ltmp2:
0x121: {  	v3 =	vld.idx.msk [tilespmem:v12+s22+$0x0], $0xffff;
	v1 =	vmul.f32 v19, v14;
	(pc) =	sbr.rel @p0 .LBB2_6-.Ltmp2, $4  }
0x122: {  	v5 =	vld.idx.msk [tilespmem:v5+s22+$0x0], $0xffff;
	v2 =	vmul.f32 v2, v15  }
0x123: {  	v7 =	vld.idx.msk [tilespmem:v7+s22+$0x0], $0xffff;
	v0 =	vmul.f32 v0, v16  }
0x124: {  	v8 =	vld.idx.msk [tilespmem:v8+s22+$0x0], $0xffff  }
0x125: {  	s3 =	sadd.s32 $0x80, s3;
	v12 =	vadd.f32 v20, v21;
	v11 =	vld.idx.msk [tilespmem:v11+s22+$0x0], $0xffff  }
0x126: {  	v9 =	vadd.f32 v9, v10  }
0x127: {  	v3 =	vadd.f32 v4, v3;
	[tilespmem:s1+$0xFFFFFFC0] =	vst v12  }
0x128: {  	v4 =	vadd.f32 v6, v5;
	[tilespmem:s1+$0xFFFFFFD0] =	vst v9  }
0x129: {  	[tilespmem:s1+$0xFFFFFFE0] =	vst v3;
	v1 =	vadd.f32 v1, v7  }
0x12a: {  	[tilespmem:s1+$0xFFFFFFF0] =	vst v4;
	v2 =	vadd.f32 v2, v8  }
0x12b: {  	[tilespmem:s1+$0x0] =	vst v1;
	v0 =	vadd.f32 v0, v11  }
0x12c: {  	[tilespmem:s1+$0x10] =	vst v2  }
0x12d: {  	[tilespmem:s1+$0x20] =	vst v0  }
0x12e: {  	v0 =	vld [tilespmem:$0x7600];
	_ =	sdelay $0x6  }
0x12f: {  	v2 =	vld [tilespmem:$0x2700]  }
0x130: {  	v1 =	vld.idx.msk [tilespmem:v0+s21+$0x0], $0xffff;
	_ =	sdelay $0x1  }
0x131: {  	v0 =	vld.idx.msk [tilespmem:v0+s22+$0x0], $0xffff;
	_ =	sdelay $0x2  }
0x132: {  	v1 =	vmul.f32 v2, v1;
	_ =	sdelay $0x1  }
0x133: {  	v0 =	vadd.f32 v1, v0;
	_ =	sdelay $0x1  }
0x134: {  	[tilespmem:$0x2700] =	vst v0  }
0x135: {  	[hbm4b:s15+s2] =	stream.linear.scatter [tilespmem:s2], [sflag:$0x3], $0x2710, $0x38;
	[tilespmem:$0x9F00] =	vst v63  }
0x136: {  	_ =	swait.ge [sflag:s29], $0x2710  }
0x137: {  	[sflag:s29] =	ssyncset.done $0x0  }
0x138: {  	[sflag:s29] =	ssyncadd.s32 $0xFFFFD8F0  }
0x139: {  	[tilespmem:s2], [sflag:$0x1] =	stream.linear.gather [hbm4b:s16+s2], $0x2710, $0x38;
	[tilespmem:$0x9F00] =	vst v63  }
0x13a: {  	_ = 	snop  }
0x13b: {  	[tilespmem:s23], [sflag:$0x1] =	stream.linear.gather [hbm4b:s17+s2], $0x2710, $0x38;
	[tilespmem:$0x9F00] =	vst v63  }
0x13c: {  	_ =	swait.ge [sflag:s24], $0x2710  }
0x13d: {  	[sflag:s24] =	ssyncset.done $0x0  }
0x13e: {  	[sflag:s24] =	ssyncadd.s32 $0xFFFFD8F0  }
0x13f: {  	_ =	swait.ge [sflag:s24], $0x2710  }
0x140: {  	[sflag:s24] =	ssyncset.done $0x0  }
0x141: {  	s0 =	simm.s32 $0x76C0;
	[sflag:s24] =	ssyncadd.s32 $0xFFFFD8F0  }
0x142: {  	v0 =	vld [tilespmem:s0+$0x30]  }
0x143: {  	v1 =	vld [tilespmem:s0+$0xFFFFFFD0]  }
0x144: {  	v2 =	vld [tilespmem:s0+$0xFFFFFFE0]  }
0x145: {  	v4 =	vld [tilespmem:s0+$0xFFFFFFF0]  }
0x146: {  	v6 =	vld [tilespmem:s0+$0x0]  }
0x147: {  	v8 =	vld [tilespmem:s0+$0x10]  }
0x148: {  	v11 =	vld [tilespmem:s0+$0x20]  }
0x149: {  	s1 =	simm.s32 $0x27C0;
	v3 =	vld [tilespmem:s0+$0xFFFFFFC0]  }
0x14a: {  	v7 =	vld [tilespmem:s1+$0x30]  }
0x14b: {  	v18 =	vld [tilespmem:s1+$0xFFFFFFC0]  }
0x14c: {  	v19 =	vld [tilespmem:s1+$0xFFFFFFD0]  }
0x14d: {  	v20 =	vld [tilespmem:s1+$0xFFFFFFE0]  }
0x14e: {  	v21 =	vld [tilespmem:s1+$0xFFFFFFF0]  }
0x14f: {  	v22 =	vld [tilespmem:s1+$0x0]  }
0x150: {  	v23 =	vld [tilespmem:s1+$0x10]  }
0x151: {  	v24 =	vld [tilespmem:s1+$0x20]  }
0x152: {  	v5 =	vld.idx.msk [tilespmem:v0+s21+$0x0], $0xffff  }
0x153: {  	v0 =	vld.idx.msk [tilespmem:v0+s22+$0x0], $0xffff  }
0x154: {  	v9 =	vld.idx.msk [tilespmem:v1+s21+$0x0], $0xffff  }
0x155: {  	v12 =	vld.idx.msk [tilespmem:v2+s21+$0x0], $0xffff  }
0x156: {  	v13 =	vld.idx.msk [tilespmem:v4+s21+$0x0], $0xffff  }
0x157: {  	v14 =	vld.idx.msk [tilespmem:v6+s21+$0x0], $0xffff  }
0x158: {  	v15 =	vld.idx.msk [tilespmem:v3+s21+$0x0], $0xffff  }
0x159: {  	v16 =	vld.idx.msk [tilespmem:v8+s21+$0x0], $0xffff  }
0x15a: {  	v17 =	vld.idx.msk [tilespmem:v11+s21+$0x0], $0xffff  }
0x15b: {  	v25 =	vld.idx.msk [tilespmem:v3+s22+$0x0], $0xffff  }
0x15c: {  	v10 =	vld.idx.msk [tilespmem:v1+s22+$0x0], $0xffff  }
0x15d: {  	v3 =	vld.idx.msk [tilespmem:v2+s22+$0x0], $0xffff  }
0x15e: {  	v8 =	vld.idx.msk [tilespmem:v8+s22+$0x0], $0xffff;
	v5 =	vmul.f32 v7, v5  }
0x15f: {  	v15 =	vmul.f32 v18, v15;
	v7 =	vld.idx.msk [tilespmem:v6+s22+$0x0], $0xffff  }
0x160: {  	v9 =	vmul.f32 v19, v9;
	v6 =	vmul.f32 v21, v13;
	v0 =	vadd.f32 v5, v0;
	v5 =	vld.idx.msk [tilespmem:v4+s22+$0x0], $0xffff  }
0x161: {  	v11 =	vld.idx.msk [tilespmem:v11+s22+$0x0], $0xffff;
	v1 =	vmul.f32 v22, v14;
	v2 =	vmul.f32 v23, v16  }
0x162: {  	s3 =	simm.s32 $0x7740;
	s0 =	simm.s32 $0x0;
	v4 =	vmul.f32 v20, v12;
	v12 =	vadd.f32 v15, v25;
	[tilespmem:s1+$0x30] =	vst v0;
	v0 =	vmul.f32 v24, v17  }
.LBB2_8:
0x163: {  	v13 =	vld [tilespmem:s3+$0x30];
	s0 =	sadd.s32 $0x8, s0;
	v9 =	vadd.f32 v9, v10  }
0x164: {  	v3 =	vadd.f32 v4, v3;
	v10 =	vld [tilespmem:s3+$0xFFFFFFD0];
	p0 =	slt.u32 s0, $0x268;
	[tilespmem:s1+$0xFFFFFFC0] =	vst v12  }
0x165: {  	v4 =	vadd.f32 v6, v5;
	v12 =	vld [tilespmem:s3+$0xFFFFFFE0];
	[tilespmem:s1+$0xFFFFFFD0] =	vst v9  }
0x166: {  	v1 =	vadd.f32 v1, v7;
	v5 =	vld [tilespmem:s3+$0xFFFFFFF0];
	[tilespmem:s1+$0xFFFFFFE0] =	vst v3  }
0x167: {  	v2 =	vadd.f32 v2, v8;
	v7 =	vld [tilespmem:s3+$0x0];
	[tilespmem:s1+$0xFFFFFFF0] =	vst v4  }
0x168: {  	v0 =	vadd.f32 v0, v11;
	v8 =	vld [tilespmem:s3+$0x10];
	[tilespmem:s1+$0x0] =	vst v1  }
0x169: {  	v11 =	vld [tilespmem:s3+$0x20];
	[tilespmem:s1+$0x10] =	vst v2  }
0x16a: {  	v1 =	vld [tilespmem:s3+$0xFFFFFFC0];
	[tilespmem:s1+$0x20] =	vst v0  }
0x16b: {  	s1 =	sadd.s32 $0x80, s1;
	v0 =	vld.idx.msk [tilespmem:v13+s21+$0x0], $0xffff  }
0x16c: {  	v2 =	vld [tilespmem:s1+$0x30]  }
0x16d: {  	v3 =	vld.idx.msk [tilespmem:v13+s22+$0x0], $0xffff  }
0x16e: {  	v4 =	vld.idx.msk [tilespmem:v10+s21+$0x0], $0xffff  }
0x16f: {  	v6 =	vld.idx.msk [tilespmem:v12+s21+$0x0], $0xffff  }
0x170: {  	v13 =	vld.idx.msk [tilespmem:v5+s21+$0x0], $0xffff  }
0x171: {  	v14 =	vld.idx.msk [tilespmem:v7+s21+$0x0], $0xffff;
	v0 =	vmul.f32 v2, v0  }
0x172: {  	v2 =	vld.idx.msk [tilespmem:v1+s21+$0x0], $0xffff  }
0x173: {  	v15 =	vld.idx.msk [tilespmem:v8+s21+$0x0], $0xffff;
	v0 =	vadd.f32 v0, v3  }
0x174: {  	v16 =	vld.idx.msk [tilespmem:v11+s21+$0x0], $0xffff  }
0x175: {  	v3 =	vld [tilespmem:s1+$0xFFFFFFC0];
	[tilespmem:s1+$0x30] =	vst v0  }
0x176: {  	v0 =	vld [tilespmem:s1+$0xFFFFFFD0]  }
0x177: {  	v17 =	vld [tilespmem:s1+$0xFFFFFFE0]  }
0x178: {  	v18 =	vld [tilespmem:s1+$0xFFFFFFF0]  }
0x179: {  	v19 =	vld [tilespmem:s1+$0x0]  }
0x17a: {  	v20 =	vmul.f32 v3, v2;
	v2 =	vld [tilespmem:s1+$0x10]  }
0x17b: {  	v9 =	vmul.f32 v0, v4;
	v0 =	vld [tilespmem:s1+$0x20]  }
0x17c: {  	v21 =	vld.idx.msk [tilespmem:v1+s22+$0x0], $0xffff;
	v4 =	vmul.f32 v17, v6  }
0x17d: {  	v10 =	vld.idx.msk [tilespmem:v10+s22+$0x0], $0xffff;
	v6 =	vmul.f32 v18, v13  }
.Ltmp3:
0x17e: {  	v3 =	vld.idx.msk [tilespmem:v12+s22+$0x0], $0xffff;
	v1 =	vmul.f32 v19, v14;
	(pc) =	sbr.rel @p0 .LBB2_8-.Ltmp3, $4  }
0x17f: {  	v5 =	vld.idx.msk [tilespmem:v5+s22+$0x0], $0xffff;
	v2 =	vmul.f32 v2, v15  }
0x180: {  	v7 =	vld.idx.msk [tilespmem:v7+s22+$0x0], $0xffff;
	v0 =	vmul.f32 v0, v16  }
0x181: {  	v8 =	vld.idx.msk [tilespmem:v8+s22+$0x0], $0xffff  }
0x182: {  	s3 =	sadd.s32 $0x80, s3;
	v12 =	vadd.f32 v20, v21;
	v11 =	vld.idx.msk [tilespmem:v11+s22+$0x0], $0xffff  }
0x183: {  	v9 =	vadd.f32 v9, v10  }
0x184: {  	v3 =	vadd.f32 v4, v3;
	[tilespmem:s1+$0xFFFFFFC0] =	vst v12  }
0x185: {  	v4 =	vadd.f32 v6, v5;
	[tilespmem:s1+$0xFFFFFFD0] =	vst v9  }
0x186: {  	[tilespmem:s1+$0xFFFFFFE0] =	vst v3;
	v1 =	vadd.f32 v1, v7  }
0x187: {  	[tilespmem:s1+$0xFFFFFFF0] =	vst v4;
	v2 =	vadd.f32 v2, v8  }
0x188: {  	[tilespmem:s1+$0x0] =	vst v1;
	v0 =	vadd.f32 v0, v11  }
0x189: {  	[tilespmem:s1+$0x10] =	vst v2  }
0x18a: {  	[tilespmem:s1+$0x20] =	vst v0  }
0x18b: {  	v0 =	vld [tilespmem:$0x9D80];
	_ =	sdelay $0x6  }
0x18c: {  	v2 =	vld [tilespmem:$0x4E80]  }
0x18d: {  	v1 =	vld.idx.msk [tilespmem:v0+s21+$0x0], $0xffff;
	_ =	sdelay $0x1  }
0x18e: {  	v0 =	vld.idx.msk [tilespmem:v0+s22+$0x0], $0xffff;
	_ =	sdelay $0x2  }
0x18f: {  	v1 =	vmul.f32 v2, v1;
	_ =	sdelay $0x1  }
0x190: {  	v0 =	vadd.f32 v1, v0;
	_ =	sdelay $0x1  }
0x191: {  	[tilespmem:$0x4E80] =	vst v0  }
0x192: {  	[hbm4b:s18+s2] =	stream.linear.scatter [tilespmem:s25], [sflag:$0x4], $0x2710, $0x38;
	[tilespmem:$0x9F00] =	vst v63  }
0x193: {  	_ =	swait.ge [sflag:s28], $0x2710  }
0x194: {  	[sflag:s28] =	ssyncset.done $0x0  }
0x195: {  	[sflag:s28] =	ssyncadd.s32 $0xFFFFD8F0  }
0x196: {  	_ =	swait.ge [sflag:s28], $0x2710  }
0x197: {  	[sflag:s28] =	ssyncset.done $0x0  }
0x198: {  	s0 =	simm.s32 $0x4F40;
	[sflag:s28] =	ssyncadd.s32 $0xFFFFD8F0  }
0x199: {  	v0 =	vld [tilespmem:s0+$0x30]  }
0x19a: {  	v1 =	vld [tilespmem:s0+$0xFFFFFFD0]  }
0x19b: {  	v2 =	vld [tilespmem:s0+$0xFFFFFFE0]  }
0x19c: {  	v4 =	vld [tilespmem:s0+$0xFFFFFFF0]  }
0x19d: {  	v6 =	vld [tilespmem:s0+$0x0]  }
0x19e: {  	v8 =	vld [tilespmem:s0+$0x10]  }
0x19f: {  	v11 =	vld [tilespmem:s0+$0x20]  }
0x1a0: {  	s1 =	simm.s32 $0x40;
	v3 =	vld [tilespmem:s0+$0xFFFFFFC0]  }
0x1a1: {  	v7 =	vld [tilespmem:s1+$0x30]  }
0x1a2: {  	v18 =	vld [tilespmem:s1+$0xFFFFFFC0]  }
0x1a3: {  	v19 =	vld [tilespmem:s1+$0xFFFFFFD0]  }
0x1a4: {  	v20 =	vld [tilespmem:s1+$0xFFFFFFE0]  }
0x1a5: {  	v21 =	vld [tilespmem:s1+$0xFFFFFFF0]  }
0x1a6: {  	v22 =	vld [tilespmem:s1+$0x0]  }
0x1a7: {  	v23 =	vld [tilespmem:s1+$0x10]  }
0x1a8: {  	v24 =	vld [tilespmem:s1+$0x20]  }
0x1a9: {  	v5 =	vld.idx.msk [tilespmem:v0+s21+$0x0], $0xffff  }
0x1aa: {  	v0 =	vld.idx.msk [tilespmem:v0+s22+$0x0], $0xffff  }
0x1ab: {  	v9 =	vld.idx.msk [tilespmem:v1+s21+$0x0], $0xffff  }
0x1ac: {  	v12 =	vld.idx.msk [tilespmem:v2+s21+$0x0], $0xffff  }
0x1ad: {  	v13 =	vld.idx.msk [tilespmem:v4+s21+$0x0], $0xffff  }
0x1ae: {  	v14 =	vld.idx.msk [tilespmem:v6+s21+$0x0], $0xffff  }
0x1af: {  	v15 =	vld.idx.msk [tilespmem:v3+s21+$0x0], $0xffff  }
0x1b0: {  	v16 =	vld.idx.msk [tilespmem:v8+s21+$0x0], $0xffff  }
0x1b1: {  	v17 =	vld.idx.msk [tilespmem:v11+s21+$0x0], $0xffff  }
0x1b2: {  	v25 =	vld.idx.msk [tilespmem:v3+s22+$0x0], $0xffff  }
0x1b3: {  	v10 =	vld.idx.msk [tilespmem:v1+s22+$0x0], $0xffff  }
0x1b4: {  	v3 =	vld.idx.msk [tilespmem:v2+s22+$0x0], $0xffff  }
0x1b5: {  	v8 =	vld.idx.msk [tilespmem:v8+s22+$0x0], $0xffff;
	v5 =	vmul.f32 v7, v5  }
0x1b6: {  	v15 =	vmul.f32 v18, v15;
	v7 =	vld.idx.msk [tilespmem:v6+s22+$0x0], $0xffff  }
0x1b7: {  	v9 =	vmul.f32 v19, v9;
	v6 =	vmul.f32 v21, v13;
	v0 =	vadd.f32 v5, v0;
	v5 =	vld.idx.msk [tilespmem:v4+s22+$0x0], $0xffff  }
0x1b8: {  	v11 =	vld.idx.msk [tilespmem:v11+s22+$0x0], $0xffff;
	v1 =	vmul.f32 v22, v14;
	v2 =	vmul.f32 v23, v16  }
0x1b9: {  	s3 =	simm.s32 $0x4FC0;
	s0 =	simm.s32 $0x0;
	v4 =	vmul.f32 v20, v12;
	v12 =	vadd.f32 v15, v25;
	[tilespmem:s1+$0x30] =	vst v0;
	v0 =	vmul.f32 v24, v17  }
.LBB2_10:
0x1ba: {  	v13 =	vld [tilespmem:s3+$0x30];
	s0 =	sadd.s32 $0x8, s0;
	v9 =	vadd.f32 v9, v10  }
0x1bb: {  	v3 =	vadd.f32 v4, v3;
	v10 =	vld [tilespmem:s3+$0xFFFFFFD0];
	p0 =	slt.u32 s0, $0x268;
	[tilespmem:s1+$0xFFFFFFC0] =	vst v12  }
0x1bc: {  	v4 =	vadd.f32 v6, v5;
	v12 =	vld [tilespmem:s3+$0xFFFFFFE0];
	[tilespmem:s1+$0xFFFFFFD0] =	vst v9  }
0x1bd: {  	v1 =	vadd.f32 v1, v7;
	v5 =	vld [tilespmem:s3+$0xFFFFFFF0];
	[tilespmem:s1+$0xFFFFFFE0] =	vst v3  }
0x1be: {  	v2 =	vadd.f32 v2, v8;
	v7 =	vld [tilespmem:s3+$0x0];
	[tilespmem:s1+$0xFFFFFFF0] =	vst v4  }
0x1bf: {  	v0 =	vadd.f32 v0, v11;
	v8 =	vld [tilespmem:s3+$0x10];
	[tilespmem:s1+$0x0] =	vst v1  }
0x1c0: {  	v11 =	vld [tilespmem:s3+$0x20];
	[tilespmem:s1+$0x10] =	vst v2  }
0x1c1: {  	v1 =	vld [tilespmem:s3+$0xFFFFFFC0];
	[tilespmem:s1+$0x20] =	vst v0  }
0x1c2: {  	s1 =	sadd.s32 $0x80, s1;
	v0 =	vld.idx.msk [tilespmem:v13+s21+$0x0], $0xffff  }
0x1c3: {  	v2 =	vld [tilespmem:s1+$0x30]  }
0x1c4: {  	v3 =	vld.idx.msk [tilespmem:v13+s22+$0x0], $0xffff  }
0x1c5: {  	v4 =	vld.idx.msk [tilespmem:v10+s21+$0x0], $0xffff  }
0x1c6: {  	v6 =	vld.idx.msk [tilespmem:v12+s21+$0x0], $0xffff  }
0x1c7: {  	v13 =	vld.idx.msk [tilespmem:v5+s21+$0x0], $0xffff  }
0x1c8: {  	v14 =	vld.idx.msk [tilespmem:v7+s21+$0x0], $0xffff;
	v0 =	vmul.f32 v2, v0  }
0x1c9: {  	v2 =	vld.idx.msk [tilespmem:v1+s21+$0x0], $0xffff  }
0x1ca: {  	v15 =	vld.idx.msk [tilespmem:v8+s21+$0x0], $0xffff;
	v0 =	vadd.f32 v0, v3  }
0x1cb: {  	v16 =	vld.idx.msk [tilespmem:v11+s21+$0x0], $0xffff  }
0x1cc: {  	v3 =	vld [tilespmem:s1+$0xFFFFFFC0];
	[tilespmem:s1+$0x30] =	vst v0  }
0x1cd: {  	v0 =	vld [tilespmem:s1+$0xFFFFFFD0]  }
0x1ce: {  	v17 =	vld [tilespmem:s1+$0xFFFFFFE0]  }
0x1cf: {  	v18 =	vld [tilespmem:s1+$0xFFFFFFF0]  }
0x1d0: {  	v19 =	vld [tilespmem:s1+$0x0]  }
0x1d1: {  	v20 =	vmul.f32 v3, v2;
	v2 =	vld [tilespmem:s1+$0x10]  }
0x1d2: {  	v9 =	vmul.f32 v0, v4;
	v0 =	vld [tilespmem:s1+$0x20]  }
0x1d3: {  	v21 =	vld.idx.msk [tilespmem:v1+s22+$0x0], $0xffff;
	v4 =	vmul.f32 v17, v6  }
0x1d4: {  	v10 =	vld.idx.msk [tilespmem:v10+s22+$0x0], $0xffff;
	v6 =	vmul.f32 v18, v13  }
.Ltmp4:
0x1d5: {  	v3 =	vld.idx.msk [tilespmem:v12+s22+$0x0], $0xffff;
	v1 =	vmul.f32 v19, v14;
	(pc) =	sbr.rel @p0 .LBB2_10-.Ltmp4, $4  }
0x1d6: {  	v5 =	vld.idx.msk [tilespmem:v5+s22+$0x0], $0xffff;
	v2 =	vmul.f32 v2, v15  }
0x1d7: {  	v7 =	vld.idx.msk [tilespmem:v7+s22+$0x0], $0xffff;
	v0 =	vmul.f32 v0, v16  }
0x1d8: {  	v8 =	vld.idx.msk [tilespmem:v8+s22+$0x0], $0xffff  }
0x1d9: {  	s3 =	sadd.s32 $0x80, s3;
	v12 =	vadd.f32 v20, v21;
	v11 =	vld.idx.msk [tilespmem:v11+s22+$0x0], $0xffff  }
0x1da: {  	v9 =	vadd.f32 v9, v10  }
0x1db: {  	v3 =	vadd.f32 v4, v3;
	[tilespmem:s1+$0xFFFFFFC0] =	vst v12  }
0x1dc: {  	v63 =	vadd.f32 v6, v5;
	[tilespmem:s1+$0xFFFFFFD0] =	vst v9  }
0x1dd: {  	[tilespmem:s1+$0xFFFFFFE0] =	vst v3;
	v1 =	vadd.f32 v1, v7  }
0x1de: {  	[tilespmem:s1+$0xFFFFFFF0] =	vst v63;
	v2 =	vadd.f32 v2, v8  }
0x1df: {  	[tilespmem:s1+$0x0] =	vst v1;
	v0 =	vadd.f32 v0, v11  }
0x1e0: {  	[tilespmem:s1+$0x10] =	vst v2  }
0x1e1: {  	[tilespmem:s1+$0x20] =	vst v0  }
0x1e2: {  	v0 =	vld [tilespmem:$0x7600];
	_ =	sdelay $0x6  }
0x1e3: {  	v2 =	vld [tilespmem:$0x2700]  }
0x1e4: {  	v1 =	vld.idx.msk [tilespmem:v0+s21+$0x0], $0xffff;
	_ =	sdelay $0x1  }
0x1e5: {  	v0 =	vld.idx.msk [tilespmem:v0+s22+$0x0], $0xffff;
	_ =	sdelay $0x2  }
0x1e6: {  	v1 =	vmul.f32 v2, v1;
	_ =	sdelay $0x1  }
0x1e7: {  	v0 =	vadd.f32 v1, v0;
	_ =	sdelay $0x1  }
0x1e8: {  	s31 =	sadd.s32 $0x1, s31;
	[tilespmem:$0x2700] =	vst v0  }
0x1e9: {  	[hbm4b:s19+s2] =	stream.linear.scatter [tilespmem:s2], [sflag:$0x3], $0x2710, $0x38;
	[tilespmem:$0x9F00] =	vst v63  }
0x1ea: {  	p0 =	sne.s32 s31, s20;
	_ =	swait.ge [sflag:s30], $0x2710  }
.Ltmp5:
0x1eb: {  	[sflag:s30] =	ssyncset.done $0x0;
	(pc) =	sbr.rel @p0 .LBB2_1-.Ltmp5, $4  }
0x1ec: {  	[sflag:s30] =	ssyncadd.s32 $0xFFFFD8F0  }
0x1ed: {  	_ =	swait.ge [sflag:s29], $0x2710  }
0x1ee: {  	[sflag:s29] =	ssyncset.done $0x0  }
0x1ef: {  	[sflag:s29] =	ssyncadd.s32 $0xFFFFD8F0  }
0x1f0: {  	_ =	sfence.sel $0x180000  }
0x1f1: {  	[bflag:$0x0] =	sbarrier.arrive $0xFFFF  }
0x1f2: {  	_ =	strace $0x90000047  }
0x1f3: {  	s0 =	stileid.u32;
	[bflag:$0x2] =	sbarrier.arrive $0xFFFF  }
0x1f4: {  	p0 =	sne.s32 s0, $0x0;
	s0 =	rddreg [dreg:$0x4]  }
0x1f5: {  	s0 =	sadd.s32 @!p0 $0x100000, s0  }
0x1f6: {  	[sflag:s0] =	ssyncadd.tile.s32 @!p0 $0x1;
	_ =	shalt  }
.Lfunc_end2:
_tile_overlayer_lowered:
.L_overlay_start_2:
0x1f7: {  	(tag) =	ssettag $0x2  }
0x1f8: {  	s0 =	rddreg [dreg:$0x0];
	s2 =	stileid.u32  }
0x1f9: {  	s1 =	rddreg [dreg:$0x1];
	p0 =	sne.s32 s2, $0x0  }
0x1fa: {  	s3 =	rddreg [dreg:$0x2];
	[bflag:$0x3] =	sbarrier.arrive $0xFFFF;
	s2 =	simm.s32 @!p0 $0x1C05  }
0x1fb: {  	[timem:s3], [sflag:s2] =	dma.local @!p0 [hbm:s0], s1  }
0x1fc: {  	s0 =	simm.s32 @!p0 $0x5  }
0x1fd: {  	_ =	swait.ge @!p0 [sflag:s0], s1  }
0x1fe: {  	s1 =	ssub.s32 @!p0 $0x0, s1;
	[sflag:s0] =	ssyncset.done @!p0 $0x0  }
0x1ff: {  	[sflag:s0] =	ssyncadd.s32 @!p0 s1  }
0x200: {  	[bflag:$0x3] =	sbarrier.arrive $0xFFFF  }
0x201: {  	_ =	shalt  }

</sc_bundles>
